<compile_context>
chip_gen: v7x
topology: tpu7x:2x2x1
jax: 0.10.2.dev20260603
libtpu: 0.0.44.dev20260713+nightly
codegen_flags: <defaults>
</compile_context>

<pallas_src>
import functools

import jax
import jax.numpy as jnp
from jax import lax
from jax.experimental import pallas as pl
from jax.experimental.pallas import tpu as pltpu
from jax.experimental.pallas import tpu_sc as plsc

_L = 16
_CW = 128
_RU = 2


def _sc_convert_t(species_t, conv_tensor):
    n_rows, n_cols = species_t.shape
    info = plsc.get_sparse_core_info()
    nc, ns = info.num_cores, info.num_subcores
    nw = nc * ns
    cols_w = n_cols // nw
    n_chunks = cols_w // _CW
    assert cols_w * nw == n_cols and n_chunks * _CW == cols_w
    assert n_chunks % 2 == 0 and n_rows % _RU == 0
    table_n = conv_tensor.shape[0]

    mesh = plsc.VectorSubcoreMesh(core_axis_name="c", subcore_axis_name="s")

    @functools.partial(
        pl.kernel,
        mesh=mesh,
        compiler_params=pltpu.CompilerParams(needs_layout_passes=False),
        out_type=jax.ShapeDtypeStruct(species_t.shape, jnp.int32),
        scratch_types=[
            pltpu.VMEM((table_n,), jnp.int32),
            pltpu.VMEM((2, n_rows, _CW), jnp.int32),
            pltpu.VMEM((2, n_rows, _CW), jnp.int32),
            pltpu.SemaphoreType.DMA,
            pltpu.SemaphoreType.DMA,
            pltpu.SemaphoreType.DMA,
            pltpu.SemaphoreType.DMA,
        ],
    )
    def k(species_hbm, conv_hbm, out_hbm, table_v, in_v, out_v,
          s_in0, s_in1, s_out0, s_out1):
        wid = lax.axis_index("s") * nc + lax.axis_index("c")
        pltpu.sync_copy(conv_hbm, table_v)
        col0 = wid * cols_w
        s_in = (s_in0, s_in1)
        s_out = (s_out0, s_out1)

        def hbm_cols(ref, ci):
            return ref.at[:, pl.ds(col0 + ci * _CW, _CW)]

        def start_in(ci, b):
            pltpu.async_copy(hbm_cols(species_hbm, ci), in_v.at[b], s_in[b])

        def wait_in(ci, b):
            pltpu.make_async_copy(hbm_cols(species_hbm, ci), in_v.at[b],
                                  s_in[b]).wait()

        def start_out(ci, b):
            pltpu.async_copy(out_v.at[b], hbm_cols(out_hbm, ci), s_out[b])

        def wait_out(ci, b):
            pltpu.make_async_copy(out_v.at[b], hbm_cols(out_hbm, ci),
                                  s_out[b]).wait()

        row_offsets = [(rr, off) for rr in range(_RU)
                       for off in range(0, _CW, _L)]

        def convert(b):
            iv = in_v.at[b]
            ov = out_v.at[b]

            def row_body(j, c):
                r = j * _RU
                idxs = [iv[r + rr, pl.ds(off, _L)] for rr, off in row_offsets]
                vals = [plsc.load_gather(table_v, [idx]) for idx in idxs]
                for (rr, off), val in zip(row_offsets, vals):
                    ov[r + rr, pl.ds(off, _L)] = val
                return c

            lax.fori_loop(0, n_rows // _RU, row_body, 0)

        start_in(0, 0)
        start_in(1, 1)

        def round_body(i, c):
            c0 = 2 * i
            c1 = c0 + 1

            wait_in(c0, 0)

            @pl.when(i > 0)
            def _():
                wait_out(c0, 0)

            convert(0)
            start_out(c0, 0)

            @pl.when(c0 + 2 < n_chunks)
            def _():
                start_in(c0 + 2, 0)

            wait_in(c1, 1)

            @pl.when(i > 0)
            def _():
                wait_out(c1, 1)

            convert(1)
            start_out(c1, 1)

            @pl.when(c1 + 2 < n_chunks)
            def _():
                start_in(c1 + 2, 1)

            return c

        lax.fori_loop(0, n_chunks // 2, round_body, 0)

        wait_out(n_chunks - 2, 0)
        wait_out(n_chunks - 1, 1)

    return k(species_t, conv_tensor)


def _tc_copy_t(x_t):
    d0, d1, d2 = x_t.shape
    x2 = x_t.reshape(d0 * d1, d2)
    br = 40
    grid = (d0 * d1 // br,)

    def body(x_ref, o_ref):
        o_ref[...] = x_ref[...]

    out = pl.pallas_call(
        body,
        grid=grid,
        in_specs=[pl.BlockSpec((br, d2), lambda i: (i, 0))],
        out_specs=pl.BlockSpec((br, d2), lambda i: (i, 0)),
        out_shape=jax.ShapeDtypeStruct(x2.shape, x2.dtype),
    )(x2)
    return out.reshape(d0, d1, d2)


def kernel(species, coordinates, conv_tensor):
    converted = _sc_convert_t(species.T, conv_tensor).T
    coords_out = _tc_copy_t(coordinates.transpose(2, 1, 0)).transpose(2, 1, 0)
    return converted, coords_out

# --- scband reference (transcript-rebuilt; emitter-appended) ---
"""Pipeline reference for scband-species-converter-22024592294364 (READ-ONLY COPY).

The authoritative reference and input builder live on the scoring server;
editing this copy changes nothing except your own understanding.
"""

import jax, jax.numpy as jnp
import numpy as np


def setup_inputs(seed: int = 0) -> dict:
    key = jax.random.key(seed)
    k1, k2 = jax.random.split(key)
    # species atomic numbers: 0..118 (0 = Dummy, mapped to internal index 0 because
    # the converter was initialized with the full periodic table including 'Dummy')
    species = jax.random.randint(k1, (16384, 200), 0, 119, dtype=jnp.int32)
    coordinates = jax.random.normal(k2, (16384, 200, 3), dtype=jnp.float32)
    # conv_tensor buffer built exactly like SpeciesConverter.__init__ with
    # species=PERIODIC_TABLE (Dummy + 118 elements): rev_idx[s]=k for k,s in enumerate,
    # so conv_tensor[k]=k for k in 0..118, and the extra slot (maxidx+2 = 120) stays -1.
    conv_tensor = jnp.concatenate([
        jnp.arange(119, dtype=jnp.int32),
        jnp.full((1,), -1, dtype=jnp.int32),
    ])
    return {"species": species, "coordinates": coordinates, "conv_tensor": conv_tensor}


def reference(species, coordinates, conv_tensor):
    # converted_species = self.conv_tensor[species]  (memory-bound gather)
    converted_species = jnp.take(conv_tensor, species, axis=0)
    # The torch module raises ValueError if any non-padding (-1) species maps to <0;
    # with the full-table init all inputs 0..118 are valid, so the check never fires
    # (omitted here since data-dependent raises are not jit-compatible).
    return (converted_species, coordinates)

if __name__ == "__main__":
    import jax
    _d = setup_inputs()
    print(jax.jit(kernel)(*tuple(_d.values())))

</pallas_src>

<mosaic_0001>
#map = affine_map<(d0, d1) -> (0, 0)>
#map1 = affine_map<(d0, d1) -> (0)>
module attributes {stable_mosaic.version = 14 : i64} {
  func.func @k(%arg0: i32, %arg1: i32, %arg2: memref<200x16384xi32, #tpu.memory_space<hbm>>, %arg3: memref<120xi32, #tpu.memory_space<hbm>>, %arg4: memref<200x16384xi32, #tpu.memory_space<hbm>>, %arg5: memref<120xi32, #tpu.memory_space<vmem>>, %arg6: memref<2x200x128xi32, #tpu.memory_space<vmem>>, %arg7: memref<2x200x128xi32, #tpu.memory_space<vmem>>, %arg8: memref<!tpu.dma_semaphore, #tpu.memory_space<semaphore_mem>>, %arg9: memref<!tpu.dma_semaphore, #tpu.memory_space<semaphore_mem>>, %arg10: memref<!tpu.dma_semaphore, #tpu.memory_space<semaphore_mem>>, %arg11: memref<!tpu.dma_semaphore, #tpu.memory_space<semaphore_mem>>) attributes {dimension_semantics = [#tpu.dimension_semantics<core_parallel>, #tpu.dimension_semantics<subcore_parallel>], iteration_bounds = array<i64: 2, 16>, scalar_prefetch = 0 : i64, scratch_operands = 7 : i64, tpu.core_type = #tpu.core_type<sc_vector_subcore>, window_params = [{transform_indices = #map}, {transform_indices = #map1}, {transform_indices = #map}]} {
    %mul3A = arith.constant 2 : i32
    %mul3A_0 = arith.muli %arg1, %mul3A : i32
    %add3A = arith.addi %mul3A_0, %arg0 : i32
    "tpu.region"() ({
      %run_scoped3A = tpu.sem_alloc : memref<!tpu.dma_semaphore, #tpu.memory_space<semaphore_mem>>
      tpu.enqueue_dma source(%arg3 : memref<120xi32, #tpu.memory_space<hbm>>) target(%arg5 : memref<120xi32, #tpu.memory_space<vmem>>) target_semaphore(%run_scoped3A : memref<!tpu.dma_semaphore, #tpu.memory_space<semaphore_mem>>)
      tpu.wait_dma2 semaphore(%run_scoped3A : memref<!tpu.dma_semaphore, #tpu.memory_space<semaphore_mem>>) src(%arg3 : memref<120xi32, #tpu.memory_space<hbm>>) dst(%arg5 : memref<120xi32, #tpu.memory_space<vmem>>)
      tpu.yield
    }) : () -> ()
    %mul3A_1 = arith.constant 512 : i32
    %mul3A_2 = arith.muli %add3A, %mul3A_1 : i32
    %add3A_3 = arith.constant 0 : i32
    %add3A_4 = arith.addi %mul3A_2, %add3A_3 : i32
    %dma_start3A = arith.constant 0 : i32
    %dma_start3A_5 = arith.constant 0 : i32
    %dma_start3A_6 = arith.constant 0 : i32
    %dma_start3A_7 = tpu.memref_slice %arg6[%dma_start3A, %dma_start3A_5, %dma_start3A_6] : memref<2x200x128xi32, #tpu.memory_space<vmem>> -> memref<1x200x128xi32, #tpu.memory_space<vmem>>
    %dma_start3A_8 = tpu.memref_squeeze %dma_start3A_7 : memref<1x200x128xi32, #tpu.memory_space<vmem>> -> memref<200x128xi32, #tpu.memory_space<vmem>>
    %dma_start3A_9 = arith.constant 0 : i32
    %dma_start3A_10 = tpu.memref_slice %arg2[%dma_start3A_9, %add3A_4] : memref<200x16384xi32, #tpu.memory_space<hbm>> -> memref<200x128xi32, #tpu.memory_space<hbm>>
    %dma_start3A_11 = arith.constant 0 : i32
    %dma_start3A_12 = arith.constant 0 : i32
    %dma_start3A_13 = tpu.memref_slice %arg6[%dma_start3A, %dma_start3A_11, %dma_start3A_12] : memref<2x200x128xi32, #tpu.memory_space<vmem>> -> memref<1x200x128xi32, #tpu.memory_space<vmem>>
    %dma_start3A_14 = tpu.memref_squeeze %dma_start3A_13 : memref<1x200x128xi32, #tpu.memory_space<vmem>> -> memref<200x128xi32, #tpu.memory_space<vmem>>
    %dma_start3A_15 = arith.constant 0 : i32
    %dma_start3A_16 = tpu.memref_slice %arg2[%dma_start3A_15, %add3A_4] : memref<200x16384xi32, #tpu.memory_space<hbm>> -> memref<200x128xi32, #tpu.memory_space<hbm>>
    tpu.enqueue_dma source(%dma_start3A_16 : memref<200x128xi32, #tpu.memory_space<hbm>>) target(%dma_start3A_14 : memref<200x128xi32, #tpu.memory_space<vmem>>) target_semaphore(%arg8 : memref<!tpu.dma_semaphore, #tpu.memory_space<semaphore_mem>>)
    %add3A_17 = arith.constant 128 : i32
    %add3A_18 = arith.addi %mul3A_2, %add3A_17 : i32
    %dma_start3A_19 = arith.constant 1 : i32
    %dma_start3A_20 = arith.constant 0 : i32
    %dma_start3A_21 = arith.constant 0 : i32
    %dma_start3A_22 = tpu.memref_slice %arg6[%dma_start3A_19, %dma_start3A_20, %dma_start3A_21] : memref<2x200x128xi32, #tpu.memory_space<vmem>> -> memref<1x200x128xi32, #tpu.memory_space<vmem>>
    %dma_start3A_23 = tpu.memref_squeeze %dma_start3A_22 : memref<1x200x128xi32, #tpu.memory_space<vmem>> -> memref<200x128xi32, #tpu.memory_space<vmem>>
    %dma_start3A_24 = arith.constant 0 : i32
    %dma_start3A_25 = tpu.memref_slice %arg2[%dma_start3A_24, %add3A_18] : memref<200x16384xi32, #tpu.memory_space<hbm>> -> memref<200x128xi32, #tpu.memory_space<hbm>>
    %dma_start3A_26 = arith.constant 0 : i32
    %dma_start3A_27 = arith.constant 0 : i32
    %dma_start3A_28 = tpu.memref_slice %arg6[%dma_start3A_19, %dma_start3A_26, %dma_start3A_27] : memref<2x200x128xi32, #tpu.memory_space<vmem>> -> memref<1x200x128xi32, #tpu.memory_space<vmem>>
    %dma_start3A_29 = tpu.memref_squeeze %dma_start3A_28 : memref<1x200x128xi32, #tpu.memory_space<vmem>> -> memref<200x128xi32, #tpu.memory_space<vmem>>
    %dma_start3A_30 = arith.constant 0 : i32
    %dma_start3A_31 = tpu.memref_slice %arg2[%dma_start3A_30, %add3A_18] : memref<200x16384xi32, #tpu.memory_space<hbm>> -> memref<200x128xi32, #tpu.memory_space<hbm>>
    tpu.enqueue_dma source(%dma_start3A_31 : memref<200x128xi32, #tpu.memory_space<hbm>>) target(%dma_start3A_29 : memref<200x128xi32, #tpu.memory_space<vmem>>) target_semaphore(%arg9 : memref<!tpu.dma_semaphore, #tpu.memory_space<semaphore_mem>>)
    %scan3A = arith.constant 0 : i32
    %scan3A_32 = arith.constant 0 : i32
    %scan3A_33 = arith.constant 2 : i32
    %scan3A_34 = arith.addi %scan3A_32, %scan3A_33 : i32
    %scan3A_35 = arith.constant 1 : i32
    scf.for %scan3A_66 = %scan3A_32 to %scan3A_34 step %scan3A_35  : i32 {
      %mul3A_67 = arith.constant 2 : i32
      %mul3A_68 = arith.muli %mul3A_67, %scan3A_66 : i32
      %add3A_69 = arith.constant 1 : i32
      %add3A_70 = arith.addi %mul3A_68, %add3A_69 : i32
      %mul3A_71 = arith.constant 128 : i32
      %mul3A_72 = arith.muli %mul3A_68, %mul3A_71 : i32
      %add3A_73 = arith.addi %mul3A_2, %mul3A_72 : i32
      %dma_wait3A_74 = arith.constant 0 : i32
      %dma_wait3A_75 = arith.constant 0 : i32
      %dma_wait3A_76 = arith.constant 0 : i32
      %dma_wait3A_77 = tpu.memref_slice %arg6[%dma_wait3A_74, %dma_wait3A_75, %dma_wait3A_76] : memref<2x200x128xi32, #tpu.memory_space<vmem>> -> memref<1x200x128xi32, #tpu.memory_space<vmem>>
      %dma_wait3A_78 = tpu.memref_squeeze %dma_wait3A_77 : memref<1x200x128xi32, #tpu.memory_space<vmem>> -> memref<200x128xi32, #tpu.memory_space<vmem>>
      %dma_wait3A_79 = arith.constant 0 : i32
      %dma_wait3A_80 = tpu.memref_slice %arg2[%dma_wait3A_79, %add3A_73] : memref<200x16384xi32, #tpu.memory_space<hbm>> -> memref<200x128xi32, #tpu.memory_space<hbm>>
      %dma_wait3A_81 = arith.constant 0 : i32
      %dma_wait3A_82 = arith.constant 0 : i32
      %dma_wait3A_83 = tpu.memref_slice %arg6[%dma_wait3A_74, %dma_wait3A_81, %dma_wait3A_82] : memref<2x200x128xi32, #tpu.memory_space<vmem>> -> memref<1x200x128xi32, #tpu.memory_space<vmem>>
      %dma_wait3A_84 = tpu.memref_squeeze %dma_wait3A_83 : memref<1x200x128xi32, #tpu.memory_space<vmem>> -> memref<200x128xi32, #tpu.memory_space<vmem>>
      %dma_wait3A_85 = arith.constant 0 : i32
      %dma_wait3A_86 = tpu.memref_slice %arg2[%dma_wait3A_85, %add3A_73] : memref<200x16384xi32, #tpu.memory_space<hbm>> -> memref<200x128xi32, #tpu.memory_space<hbm>>
      tpu.wait_dma2 semaphore(%arg8 : memref<!tpu.dma_semaphore, #tpu.memory_space<semaphore_mem>>) src(%dma_wait3A_86 : memref<200x128xi32, #tpu.memory_space<hbm>>) dst(%dma_wait3A_84 : memref<200x128xi32, #tpu.memory_space<vmem>>)
      %gt3A = arith.constant 0 : i32
      %gt3A_87 = arith.cmpi sgt, %scan3A_66, %gt3A : i32
      %convert_element_type3A = arith.extui %gt3A_87 : i1 to i32
      %cond3A = arith.constant 0 : i32
      %cond3A_88 = arith.cmpi ne, %convert_element_type3A, %cond3A : i32
      scf.if %cond3A_88 {
        %mul3A_171 = arith.constant 128 : i32
        %mul3A_172 = arith.muli %mul3A_68, %mul3A_171 : i32
        %add3A_173 = arith.addi %mul3A_2, %mul3A_172 : i32
        %dma_wait3A_174 = arith.constant 0 : i32
        %dma_wait3A_175 = arith.constant 0 : i32
        %dma_wait3A_176 = arith.constant 0 : i32
        %dma_wait3A_177 = tpu.memref_slice %arg7[%dma_wait3A_174, %dma_wait3A_175, %dma_wait3A_176] : memref<2x200x128xi32, #tpu.memory_space<vmem>> -> memref<1x200x128xi32, #tpu.memory_space<vmem>>
        %dma_wait3A_178 = tpu.memref_squeeze %dma_wait3A_177 : memref<1x200x128xi32, #tpu.memory_space<vmem>> -> memref<200x128xi32, #tpu.memory_space<vmem>>
        %dma_wait3A_179 = arith.constant 0 : i32
        %dma_wait3A_180 = tpu.memref_slice %arg4[%dma_wait3A_179, %add3A_173] : memref<200x16384xi32, #tpu.memory_space<hbm>> -> memref<200x128xi32, #tpu.memory_space<hbm>>
        %dma_wait3A_181 = arith.constant 0 : i32
        %dma_wait3A_182 = tpu.memref_slice %arg4[%dma_wait3A_181, %add3A_173] : memref<200x16384xi32, #tpu.memory_space<hbm>> -> memref<200x128xi32, #tpu.memory_space<hbm>>
        %dma_wait3A_183 = arith.constant 0 : i32
        %dma_wait3A_184 = arith.constant 0 : i32
        %dma_wait3A_185 = tpu.memref_slice %arg7[%dma_wait3A_174, %dma_wait3A_183, %dma_wait3A_184] : memref<2x200x128xi32, #tpu.memory_space<vmem>> -> memref<1x200x128xi32, #tpu.memory_space<vmem>>
        %dma_wait3A_186 = tpu.memref_squeeze %dma_wait3A_185 : memref<1x200x128xi32, #tpu.memory_space<vmem>> -> memref<200x128xi32, #tpu.memory_space<vmem>>
        tpu.wait_dma2 semaphore(%arg10 : memref<!tpu.dma_semaphore, #tpu.memory_space<semaphore_mem>>) src(%dma_wait3A_186 : memref<200x128xi32, #tpu.memory_space<vmem>>) dst(%dma_wait3A_182 : memref<200x128xi32, #tpu.memory_space<hbm>>)
      } else {
      }
      %scan3A_89 = arith.constant 0 : i32
      %scan3A_90 = arith.constant 0 : i32
      %scan3A_91 = arith.constant 0 : i32
      %scan3A_92 = arith.constant 0 : i32
      %scan3A_93 = arith.constant 100 : i32
      %scan3A_94 = arith.addi %scan3A_92, %scan3A_93 : i32
      %scan3A_95 = arith.constant 1 : i32
      scf.for %scan3A_171 = %scan3A_92 to %scan3A_94 step %scan3A_95  : i32 {
        %mul3A_172 = arith.constant 2 : i32
        %mul3A_173 = arith.muli %scan3A_171, %mul3A_172 : i32
        %add3A_174 = arith.constant 0 : i32
        %add3A_175 = arith.addi %mul3A_173, %add3A_174 : i32
        %get3A = arith.constant 0 : i32
        %get3A_176 = arith.constant 0 : i32
        %get3A_177 = tpu.memref_slice %arg6[%scan3A_90, %get3A, %get3A_176] : memref<2x200x128xi32, #tpu.memory_space<vmem>> -> memref<1x200x128xi32, #tpu.memory_space<vmem>>
        %get3A_178 = tpu.memref_squeeze %get3A_177 : memref<1x200x128xi32, #tpu.memory_space<vmem>> -> memref<200x128xi32, #tpu.memory_space<vmem>>
        %get3A_179 = arith.index_cast %add3A_175 : i32 to index
        %get3A_180 = arith.constant 0 : index
        %get3A_181 = tpu.vector_load %get3A_178[%get3A_179, %get3A_180] {strides = array<i32>} : memref<200x128xi32, #tpu.memory_space<vmem>>, vector<16xi32>,
        %add3A_182 = arith.constant 0 : i32
        %add3A_183 = arith.addi %mul3A_173, %add3A_182 : i32
        %get3A_184 = arith.constant 0 : i32
        %get3A_185 = arith.constant 0 : i32
        %get3A_186 = tpu.memref_slice %arg6[%scan3A_90, %get3A_184, %get3A_185] : memref<2x200x128xi32, #tpu.memory_space<vmem>> -> memref<1x200x128xi32, #tpu.memory_space<vmem>>
        %get3A_187 = tpu.memref_squeeze %get3A_186 : memref<1x200x128xi32, #tpu.memory_space<vmem>> -> memref<200x128xi32, #tpu.memory_space<vmem>>
        %get3A_188 = arith.index_cast %add3A_183 : i32 to index
        %get3A_189 = arith.constant 16 : index
        %get3A_190 = tpu.vector_load %get3A_187[%get3A_188, %get3A_189] {strides = array<i32>} : memref<200x128xi32, #tpu.memory_space<vmem>>, vector<16xi32>,
        %add3A_191 = arith.constant 0 : i32
        %add3A_192 = arith.addi %mul3A_173, %add3A_191 : i32
        %get3A_193 = arith.constant 0 : i32
        %get3A_194 = arith.constant 0 : i32
        %get3A_195 = tpu.memref_slice %arg6[%scan3A_90, %get3A_193, %get3A_194] : memref<2x200x128xi32, #tpu.memory_space<vmem>> -> memref<1x200x128xi32, #tpu.memory_space<vmem>>
        %get3A_196 = tpu.memref_squeeze %get3A_195 : memref<1x200x128xi32, #tpu.memory_space<vmem>> -> memref<200x128xi32, #tpu.memory_space<vmem>>
        %get3A_197 = arith.index_cast %add3A_192 : i32 to index
        %get3A_198 = arith.constant 32 : index
        %get3A_199 = tpu.vector_load %get3A_196[%get3A_197, %get3A_198] {strides = array<i32>} : memref<200x128xi32, #tpu.memory_space<vmem>>, vector<16xi32>,
        %add3A_200 = arith.constant 0 : i32
        %add3A_201 = arith.addi %mul3A_173, %add3A_200 : i32
        %get3A_202 = arith.constant 0 : i32
        %get3A_203 = arith.constant 0 : i32
        %get3A_204 = tpu.memref_slice %arg6[%scan3A_90, %get3A_202, %get3A_203] : memref<2x200x128xi32, #tpu.memory_space<vmem>> -> memref<1x200x128xi32, #tpu.memory_space<vmem>>
        %get3A_205 = tpu.memref_squeeze %get3A_204 : memref<1x200x128xi32, #tpu.memory_space<vmem>> -> memref<200x128xi32, #tpu.memory_space<vmem>>
        %get3A_206 = arith.index_cast %add3A_201 : i32 to index
        %get3A_207 = arith.constant 48 : index
        %get3A_208 = tpu.vector_load %get3A_205[%get3A_206, %get3A_207] {strides = array<i32>} : memref<200x128xi32, #tpu.memory_space<vmem>>, vector<16xi32>,
        %add3A_209 = arith.constant 0 : i32
        %add3A_210 = arith.addi %mul3A_173, %add3A_209 : i32
        %get3A_211 = arith.constant 0 : i32
        %get3A_212 = arith.constant 0 : i32
        %get3A_213 = tpu.memref_slice %arg6[%scan3A_90, %get3A_211, %get3A_212] : memref<2x200x128xi32, #tpu.memory_space<vmem>> -> memref<1x200x128xi32, #tpu.memory_space<vmem>>
        %get3A_214 = tpu.memref_squeeze %get3A_213 : memref<1x200x128xi32, #tpu.memory_space<vmem>> -> memref<200x128xi32, #tpu.memory_space<vmem>>
        %get3A_215 = arith.index_cast %add3A_210 : i32 to index
        %get3A_216 = arith.constant 64 : index
        %get3A_217 = tpu.vector_load %get3A_214[%get3A_215, %get3A_216] {strides = array<i32>} : memref<200x128xi32, #tpu.memory_space<vmem>>, vector<16xi32>,
        %add3A_218 = arith.constant 0 : i32
        %add3A_219 = arith.addi %mul3A_173, %add3A_218 : i32
        %get3A_220 = arith.constant 0 : i32
        %get3A_221 = arith.constant 0 : i32
        %get3A_222 = tpu.memref_slice %arg6[%scan3A_90, %get3A_220, %get3A_221] : memref<2x200x128xi32, #tpu.memory_space<vmem>> -> memref<1x200x128xi32, #tpu.memory_space<vmem>>
        %get3A_223 = tpu.memref_squeeze %get3A_222 : memref<1x200x128xi32, #tpu.memory_space<vmem>> -> memref<200x128xi32, #tpu.memory_space<vmem>>
        %get3A_224 = arith.index_cast %add3A_219 : i32 to index
        %get3A_225 = arith.constant 80 : index
        %get3A_226 = tpu.vector_load %get3A_223[%get3A_224, %get3A_225] {strides = array<i32>} : memref<200x128xi32, #tpu.memory_space<vmem>>, vector<16xi32>,
        %add3A_227 = arith.constant 0 : i32
        %add3A_228 = arith.addi %mul3A_173, %add3A_227 : i32
        %get3A_229 = arith.constant 0 : i32
        %get3A_230 = arith.constant 0 : i32
        %get3A_231 = tpu.memref_slice %arg6[%scan3A_90, %get3A_229, %get3A_230] : memref<2x200x128xi32, #tpu.memory_space<vmem>> -> memref<1x200x128xi32, #tpu.memory_space<vmem>>
        %get3A_232 = tpu.memref_squeeze %get3A_231 : memref<1x200x128xi32, #tpu.memory_space<vmem>> -> memref<200x128xi32, #tpu.memory_space<vmem>>
        %get3A_233 = arith.index_cast %add3A_228 : i32 to index
        %get3A_234 = arith.constant 96 : index
        %get3A_235 = tpu.vector_load %get3A_232[%get3A_233, %get3A_234] {strides = array<i32>} : memref<200x128xi32, #tpu.memory_space<vmem>>, vector<16xi32>,
        %add3A_236 = arith.constant 0 : i32
        %add3A_237 = arith.addi %mul3A_173, %add3A_236 : i32
        %get3A_238 = arith.constant 0 : i32
        %get3A_239 = arith.constant 0 : i32
        %get3A_240 = tpu.memref_slice %arg6[%scan3A_90, %get3A_238, %get3A_239] : memref<2x200x128xi32, #tpu.memory_space<vmem>> -> memref<1x200x128xi32, #tpu.memory_space<vmem>>
        %get3A_241 = tpu.memref_squeeze %get3A_240 : memref<1x200x128xi32, #tpu.memory_space<vmem>> -> memref<200x128xi32, #tpu.memory_space<vmem>>
        %get3A_242 = arith.index_cast %add3A_237 : i32 to index
        %get3A_243 = arith.constant 112 : index
        %get3A_244 = tpu.vector_load %get3A_241[%get3A_242, %get3A_243] {strides = array<i32>} : memref<200x128xi32, #tpu.memory_space<vmem>>, vector<16xi32>,
        %add3A_245 = arith.constant 1 : i32
        %add3A_246 = arith.addi %mul3A_173, %add3A_245 : i32
        %get3A_247 = arith.constant 0 : i32
        %get3A_248 = arith.constant 0 : i32
        %get3A_249 = tpu.memref_slice %arg6[%scan3A_90, %get3A_247, %get3A_248] : memref<2x200x128xi32, #tpu.memory_space<vmem>> -> memref<1x200x128xi32, #tpu.memory_space<vmem>>
        %get3A_250 = tpu.memref_squeeze %get3A_249 : memref<1x200x128xi32, #tpu.memory_space<vmem>> -> memref<200x128xi32, #tpu.memory_space<vmem>>
        %get3A_251 = arith.index_cast %add3A_246 : i32 to index
        %get3A_252 = arith.constant 0 : index
        %get3A_253 = tpu.vector_load %get3A_250[%get3A_251, %get3A_252] {strides = array<i32>} : memref<200x128xi32, #tpu.memory_space<vmem>>, vector<16xi32>,
        %add3A_254 = arith.constant 1 : i32
        %add3A_255 = arith.addi %mul3A_173, %add3A_254 : i32
        %get3A_256 = arith.constant 0 : i32
        %get3A_257 = arith.constant 0 : i32
        %get3A_258 = tpu.memref_slice %arg6[%scan3A_90, %get3A_256, %get3A_257] : memref<2x200x128xi32, #tpu.memory_space<vmem>> -> memref<1x200x128xi32, #tpu.memory_space<vmem>>
        %get3A_259 = tpu.memref_squeeze %get3A_258 : memref<1x200x128xi32, #tpu.memory_space<vmem>> -> memref<200x128xi32, #tpu.memory_space<vmem>>
        %get3A_260 = arith.index_cast %add3A_255 : i32 to index
        %get3A_261 = arith.constant 16 : index
        %get3A_262 = tpu.vector_load %get3A_259[%get3A_260, %get3A_261] {strides = array<i32>} : memref<200x128xi32, #tpu.memory_space<vmem>>, vector<16xi32>,
        %add3A_263 = arith.constant 1 : i32
        %add3A_264 = arith.addi %mul3A_173, %add3A_263 : i32
        %get3A_265 = arith.constant 0 : i32
        %get3A_266 = arith.constant 0 : i32
        %get3A_267 = tpu.memref_slice %arg6[%scan3A_90, %get3A_265, %get3A_266] : memref<2x200x128xi32, #tpu.memory_space<vmem>> -> memref<1x200x128xi32, #tpu.memory_space<vmem>>
        %get3A_268 = tpu.memref_squeeze %get3A_267 : memref<1x200x128xi32, #tpu.memory_space<vmem>> -> memref<200x128xi32, #tpu.memory_space<vmem>>
        %get3A_269 = arith.index_cast %add3A_264 : i32 to index
        %get3A_270 = arith.constant 32 : index
        %get3A_271 = tpu.vector_load %get3A_268[%get3A_269, %get3A_270] {strides = array<i32>} : memref<200x128xi32, #tpu.memory_space<vmem>>, vector<16xi32>,
        %add3A_272 = arith.constant 1 : i32
        %add3A_273 = arith.addi %mul3A_173, %add3A_272 : i32
        %get3A_274 = arith.constant 0 : i32
        %get3A_275 = arith.constant 0 : i32
        %get3A_276 = tpu.memref_slice %arg6[%scan3A_90, %get3A_274, %get3A_275] : memref<2x200x128xi32, #tpu.memory_space<vmem>> -> memref<1x200x128xi32, #tpu.memory_space<vmem>>
        %get3A_277 = tpu.memref_squeeze %get3A_276 : memref<1x200x128xi32, #tpu.memory_space<vmem>> -> memref<200x128xi32, #tpu.memory_space<vmem>>
        %get3A_278 = arith.index_cast %add3A_273 : i32 to index
        %get3A_279 = arith.constant 48 : index
        %get3A_280 = tpu.vector_load %get3A_277[%get3A_278, %get3A_279] {strides = array<i32>} : memref<200x128xi32, #tpu.memory_space<vmem>>, vector<16xi32>,
        %add3A_281 = arith.constant 1 : i32
        %add3A_282 = arith.addi %mul3A_173, %add3A_281 : i32
        %get3A_283 = arith.constant 0 : i32
        %get3A_284 = arith.constant 0 : i32
        %get3A_285 = tpu.memref_slice %arg6[%scan3A_90, %get3A_283, %get3A_284] : memref<2x200x128xi32, #tpu.memory_space<vmem>> -> memref<1x200x128xi32, #tpu.memory_space<vmem>>
        %get3A_286 = tpu.memref_squeeze %get3A_285 : memref<1x200x128xi32, #tpu.memory_space<vmem>> -> memref<200x128xi32, #tpu.memory_space<vmem>>
        %get3A_287 = arith.index_cast %add3A_282 : i32 to index
        %get3A_288 = arith.constant 64 : index
        %get3A_289 = tpu.vector_load %get3A_286[%get3A_287, %get3A_288] {strides = array<i32>} : memref<200x128xi32, #tpu.memory_space<vmem>>, vector<16xi32>,
        %add3A_290 = arith.constant 1 : i32
        %add3A_291 = arith.addi %mul3A_173, %add3A_290 : i32
        %get3A_292 = arith.constant 0 : i32
        %get3A_293 = arith.constant 0 : i32
        %get3A_294 = tpu.memref_slice %arg6[%scan3A_90, %get3A_292, %get3A_293] : memref<2x200x128xi32, #tpu.memory_space<vmem>> -> memref<1x200x128xi32, #tpu.memory_space<vmem>>
        %get3A_295 = tpu.memref_squeeze %get3A_294 : memref<1x200x128xi32, #tpu.memory_space<vmem>> -> memref<200x128xi32, #tpu.memory_space<vmem>>
        %get3A_296 = arith.index_cast %add3A_291 : i32 to index
        %get3A_297 = arith.constant 80 : index
        %get3A_298 = tpu.vector_load %get3A_295[%get3A_296, %get3A_297] {strides = array<i32>} : memref<200x128xi32, #tpu.memory_space<vmem>>, vector<16xi32>,
        %add3A_299 = arith.constant 1 : i32
        %add3A_300 = arith.addi %mul3A_173, %add3A_299 : i32
        %get3A_301 = arith.constant 0 : i32
        %get3A_302 = arith.constant 0 : i32
        %get3A_303 = tpu.memref_slice %arg6[%scan3A_90, %get3A_301, %get3A_302] : memref<2x200x128xi32, #tpu.memory_space<vmem>> -> memref<1x200x128xi32, #tpu.memory_space<vmem>>
        %get3A_304 = tpu.memref_squeeze %get3A_303 : memref<1x200x128xi32, #tpu.memory_space<vmem>> -> memref<200x128xi32, #tpu.memory_space<vmem>>
        %get3A_305 = arith.index_cast %add3A_300 : i32 to index
        %get3A_306 = arith.constant 96 : index
        %get3A_307 = tpu.vector_load %get3A_304[%get3A_305, %get3A_306] {strides = array<i32>} : memref<200x128xi32, #tpu.memory_space<vmem>>, vector<16xi32>,
        %add3A_308 = arith.constant 1 : i32
        %add3A_309 = arith.addi %mul3A_173, %add3A_308 : i32
        %get3A_310 = arith.constant 0 : i32
        %get3A_311 = arith.constant 0 : i32
        %get3A_312 = tpu.memref_slice %arg6[%scan3A_90, %get3A_310, %get3A_311] : memref<2x200x128xi32, #tpu.memory_space<vmem>> -> memref<1x200x128xi32, #tpu.memory_space<vmem>>
        %get3A_313 = tpu.memref_squeeze %get3A_312 : memref<1x200x128xi32, #tpu.memory_space<vmem>> -> memref<200x128xi32, #tpu.memory_space<vmem>>
        %get3A_314 = arith.index_cast %add3A_309 : i32 to index
        %get3A_315 = arith.constant 112 : index
        %get3A_316 = tpu.vector_load %get3A_313[%get3A_314, %get3A_315] {strides = array<i32>} : memref<200x128xi32, #tpu.memory_space<vmem>>, vector<16xi32>,
        %gather3A = tpu.vector_load_idx %arg5[%get3A_181] : memref<120xi32, #tpu.memory_space<vmem>>[vector<16xi32>], vector<16xi32>,
        %gather3A_317 = tpu.vector_load_idx %arg5[%get3A_190] : memref<120xi32, #tpu.memory_space<vmem>>[vector<16xi32>], vector<16xi32>,
        %gather3A_318 = tpu.vector_load_idx %arg5[%get3A_199] : memref<120xi32, #tpu.memory_space<vmem>>[vector<16xi32>], vector<16xi32>,
        %gather3A_319 = tpu.vector_load_idx %arg5[%get3A_208] : memref<120xi32, #tpu.memory_space<vmem>>[vector<16xi32>], vector<16xi32>,
        %gather3A_320 = tpu.vector_load_idx %arg5[%get3A_217] : memref<120xi32, #tpu.memory_space<vmem>>[vector<16xi32>], vector<16xi32>,
        %gather3A_321 = tpu.vector_load_idx %arg5[%get3A_226] : memref<120xi32, #tpu.memory_space<vmem>>[vector<16xi32>], vector<16xi32>,
        %gather3A_322 = tpu.vector_load_idx %arg5[%get3A_235] : memref<120xi32, #tpu.memory_space<vmem>>[vector<16xi32>], vector<16xi32>,
        %gather3A_323 = tpu.vector_load_idx %arg5[%get3A_244] : memref<120xi32, #tpu.memory_space<vmem>>[vector<16xi32>], vector<16xi32>,
        %gather3A_324 = tpu.vector_load_idx %arg5[%get3A_253] : memref<120xi32, #tpu.memory_space<vmem>>[vector<16xi32>], vector<16xi32>,
        %gather3A_325 = tpu.vector_load_idx %arg5[%get3A_262] : memref<120xi32, #tpu.memory_space<vmem>>[vector<16xi32>], vector<16xi32>,
        %gather3A_326 = tpu.vector_load_idx %arg5[%get3A_271] : memref<120xi32, #tpu.memory_space<vmem>>[vector<16xi32>], vector<16xi32>,
        %gather3A_327 = tpu.vector_load_idx %arg5[%get3A_280] : memref<120xi32, #tpu.memory_space<vmem>>[vector<16xi32>], vector<16xi32>,
        %gather3A_328 = tpu.vector_load_idx %arg5[%get3A_289] : memref<120xi32, #tpu.memory_space<vmem>>[vector<16xi32>], vector<16xi32>,
        %gather3A_329 = tpu.vector_load_idx %arg5[%get3A_298] : memref<120xi32, #tpu.memory_space<vmem>>[vector<16xi32>], vector<16xi32>,
        %gather3A_330 = tpu.vector_load_idx %arg5[%get3A_307] : memref<120xi32, #tpu.memory_space<vmem>>[vector<16xi32>], vector<16xi32>,
        %gather3A_331 = tpu.vector_load_idx %arg5[%get3A_316] : memref<120xi32, #tpu.memory_space<vmem>>[vector<16xi32>], vector<16xi32>,
        %add3A_332 = arith.constant 0 : i32
        %add3A_333 = arith.addi %mul3A_173, %add3A_332 : i32
        %swap3A = arith.constant 0 : i32
        %swap3A_334 = arith.constant 0 : i32
        %swap3A_335 = tpu.memref_slice %arg7[%scan3A_91, %swap3A, %swap3A_334] : memref<2x200x128xi32, #tpu.memory_space<vmem>> -> memref<1x200x128xi32, #tpu.memory_space<vmem>>
        %swap3A_336 = tpu.memref_squeeze %swap3A_335 : memref<1x200x128xi32, #tpu.memory_space<vmem>> -> memref<200x128xi32, #tpu.memory_space<vmem>>
        %swap3A_337 = arith.index_cast %add3A_333 : i32 to index
        %swap3A_338 = arith.constant 0 : index
        %swap3A_339 = tpu.vector_load %swap3A_336[%swap3A_337, %swap3A_338] {strides = array<i32>} : memref<200x128xi32, #tpu.memory_space<vmem>>, vector<16xi32>,
        tpu.vector_store %swap3A_336[%swap3A_337, %swap3A_338], %gather3A {strides = array<i32>} : memref<200x128xi32, #tpu.memory_space<vmem>>, vector<16xi32>,
        %add3A_340 = arith.constant 0 : i32
        %add3A_341 = arith.addi %mul3A_173, %add3A_340 : i32
        %swap3A_342 = arith.constant 0 : i32
        %swap3A_343 = arith.constant 0 : i32
        %swap3A_344 = tpu.memref_slice %arg7[%scan3A_91, %swap3A_342, %swap3A_343] : memref<2x200x128xi32, #tpu.memory_space<vmem>> -> memref<1x200x128xi32, #tpu.memory_space<vmem>>
        %swap3A_345 = tpu.memref_squeeze %swap3A_344 : memref<1x200x128xi32, #tpu.memory_space<vmem>> -> memref<200x128xi32, #tpu.memory_space<vmem>>
        %swap3A_346 = arith.index_cast %add3A_341 : i32 to index
        %swap3A_347 = arith.constant 16 : index
        %swap3A_348 = tpu.vector_load %swap3A_345[%swap3A_346, %swap3A_347] {strides = array<i32>} : memref<200x128xi32, #tpu.memory_space<vmem>>, vector<16xi32>,
        tpu.vector_store %swap3A_345[%swap3A_346, %swap3A_347], %gather3A_317 {strides = array<i32>} : memref<200x128xi32, #tpu.memory_space<vmem>>, vector<16xi32>,
        %add3A_349 = arith.constant 0 : i32
        %add3A_350 = arith.addi %mul3A_173, %add3A_349 : i32
        %swap3A_351 = arith.constant 0 : i32
        %swap3A_352 = arith.constant 0 : i32
        %swap3A_353 = tpu.memref_slice %arg7[%scan3A_91, %swap3A_351, %swap3A_352] : memref<2x200x128xi32, #tpu.memory_space<vmem>> -> memref<1x200x128xi32, #tpu.memory_space<vmem>>
        %swap3A_354 = tpu.memref_squeeze %swap3A_353 : memref<1x200x128xi32, #tpu.memory_space<vmem>> -> memref<200x128xi32, #tpu.memory_space<vmem>>
        %swap3A_355 = arith.index_cast %add3A_350 : i32 to index
        %swap3A_356 = arith.constant 32 : index
        %swap3A_357 = tpu.vector_load %swap3A_354[%swap3A_355, %swap3A_356] {strides = array<i32>} : memref<200x128xi32, #tpu.memory_space<vmem>>, vector<16xi32>,
        tpu.vector_store %swap3A_354[%swap3A_355, %swap3A_356], %gather3A_318 {strides = array<i32>} : memref<200x128xi32, #tpu.memory_space<vmem>>, vector<16xi32>,
        %add3A_358 = arith.constant 0 : i32
        %add3A_359 = arith.addi %mul3A_173, %add3A_358 : i32
        %swap3A_360 = arith.constant 0 : i32
        %swap3A_361 = arith.constant 0 : i32
        %swap3A_362 = tpu.memref_slice %arg7[%scan3A_91, %swap3A_360, %swap3A_361] : memref<2x200x128xi32, #tpu.memory_space<vmem>> -> memref<1x200x128xi32, #tpu.memory_space<vmem>>
        %swap3A_363 = tpu.memref_squeeze %swap3A_362 : memref<1x200x128xi32, #tpu.memory_space<vmem>> -> memref<200x128xi32, #tpu.memory_space<vmem>>
        %swap3A_364 = arith.index_cast %add3A_359 : i32 to index
        %swap3A_365 = arith.constant 48 : index
        %swap3A_366 = tpu.vector_load %swap3A_363[%swap3A_364, %swap3A_365] {strides = array<i32>} : memref<200x128xi32, #tpu.memory_space<vmem>>, vector<16xi32>,
        tpu.vector_store %swap3A_363[%swap3A_364, %swap3A_365], %gather3A_319 {strides = array<i32>} : memref<200x128xi32, #tpu.memory_space<vmem>>, vector<16xi32>,
        %add3A_367 = arith.constant 0 : i32
        %add3A_368 = arith.addi %mul3A_173, %add3A_367 : i32
        %swap3A_369 = arith.constant 0 : i32
        %swap3A_370 = arith.constant 0 : i32
        %swap3A_371 = tpu.memref_slice %arg7[%scan3A_91, %swap3A_369, %swap3A_370] : memref<2x200x128xi32, #tpu.memory_space<vmem>> -> memref<1x200x128xi32, #tpu.memory_space<vmem>>
        %swap3A_372 = tpu.memref_squeeze %swap3A_371 : memref<1x200x128xi32, #tpu.memory_space<vmem>> -> memref<200x128xi32, #tpu.memory_space<vmem>>
        %swap3A_373 = arith.index_cast %add3A_368 : i32 to index
        %swap3A_374 = arith.constant 64 : index
        %swap3A_375 = tpu.vector_load %swap3A_372[%swap3A_373, %swap3A_374] {strides = array<i32>} : memref<200x128xi32, #tpu.memory_space<vmem>>, vector<16xi32>,
        tpu.vector_store %swap3A_372[%swap3A_373, %swap3A_374], %gather3A_320 {strides = array<i32>} : memref<200x128xi32, #tpu.memory_space<vmem>>, vector<16xi32>,
        %add3A_376 = arith.constant 0 : i32
        %add3A_377 = arith.addi %mul3A_173, %add3A_376 : i32
        %swap3A_378 = arith.constant 0 : i32
        %swap3A_379 = arith.constant 0 : i32
        %swap3A_380 = tpu.memref_slice %arg7[%scan3A_91, %swap3A_378, %swap3A_379] : memref<2x200x128xi32, #tpu.memory_space<vmem>> -> memref<1x200x128xi32, #tpu.memory_space<vmem>>
        %swap3A_381 = tpu.memref_squeeze %swap3A_380 : memref<1x200x128xi32, #tpu.memory_space<vmem>> -> memref<200x128xi32, #tpu.memory_space<vmem>>
        %swap3A_382 = arith.index_cast %add3A_377 : i32 to index
        %swap3A_383 = arith.constant 80 : index
        %swap3A_384 = tpu.vector_load %swap3A_381[%swap3A_382, %swap3A_383] {strides = array<i32>} : memref<200x128xi32, #tpu.memory_space<vmem>>, vector<16xi32>,
        tpu.vector_store %swap3A_381[%swap3A_382, %swap3A_383], %gather3A_321 {strides = array<i32>} : memref<200x128xi32, #tpu.memory_space<vmem>>, vector<16xi32>,
        %add3A_385 = arith.constant 0 : i32
        %add3A_386 = arith.addi %mul3A_173, %add3A_385 : i32
        %swap3A_387 = arith.constant 0 : i32
        %swap3A_388 = arith.constant 0 : i32
        %swap3A_389 = tpu.memref_slice %arg7[%scan3A_91, %swap3A_387, %swap3A_388] : memref<2x200x128xi32, #tpu.memory_space<vmem>> -> memref<1x200x128xi32, #tpu.memory_space<vmem>>
        %swap3A_390 = tpu.memref_squeeze %swap3A_389 : memref<1x200x128xi32, #tpu.memory_space<vmem>> -> memref<200x128xi32, #tpu.memory_space<vmem>>
        %swap3A_391 = arith.index_cast %add3A_386 : i32 to index
        %swap3A_392 = arith.constant 96 : index
        %swap3A_393 = tpu.vector_load %swap3A_390[%swap3A_391, %swap3A_392] {strides = array<i32>} : memref<200x128xi32, #tpu.memory_space<vmem>>, vector<16xi32>,
        tpu.vector_store %swap3A_390[%swap3A_391, %swap3A_392], %gather3A_322 {strides = array<i32>} : memref<200x128xi32, #tpu.memory_space<vmem>>, vector<16xi32>,
        %add3A_394 = arith.constant 0 : i32
        %add3A_395 = arith.addi %mul3A_173, %add3A_394 : i32
        %swap3A_396 = arith.constant 0 : i32
        %swap3A_397 = arith.constant 0 : i32
        %swap3A_398 = tpu.memref_slice %arg7[%scan3A_91, %swap3A_396, %swap3A_397] : memref<2x200x128xi32, #tpu.memory_space<vmem>> -> memref<1x200x128xi32, #tpu.memory_space<vmem>>
        %swap3A_399 = tpu.memref_squeeze %swap3A_398 : memref<1x200x128xi32, #tpu.memory_space<vmem>> -> memref<200x128xi32, #tpu.memory_space<vmem>>
        %swap3A_400 = arith.index_cast %add3A_395 : i32 to index
        %swap3A_401 = arith.constant 112 : index
        %swap3A_402 = tpu.vector_load %swap3A_399[%swap3A_400, %swap3A_401] {strides = array<i32>} : memref<200x128xi32, #tpu.memory_space<vmem>>, vector<16xi32>,
        tpu.vector_store %swap3A_399[%swap3A_400, %swap3A_401], %gather3A_323 {strides = array<i32>} : memref<200x128xi32, #tpu.memory_space<vmem>>, vector<16xi32>,
        %add3A_403 = arith.constant 1 : i32
        %add3A_404 = arith.addi %mul3A_173, %add3A_403 : i32
        %swap3A_405 = arith.constant 0 : i32
        %swap3A_406 = arith.constant 0 : i32
        %swap3A_407 = tpu.memref_slice %arg7[%scan3A_91, %swap3A_405, %swap3A_406] : memref<2x200x128xi32, #tpu.memory_space<vmem>> -> memref<1x200x128xi32, #tpu.memory_space<vmem>>
        %swap3A_408 = tpu.memref_squeeze %swap3A_407 : memref<1x200x128xi32, #tpu.memory_space<vmem>> -> memref<200x128xi32, #tpu.memory_space<vmem>>
        %swap3A_409 = arith.index_cast %add3A_404 : i32 to index
        %swap3A_410 = arith.constant 0 : index
        %swap3A_411 = tpu.vector_load %swap3A_408[%swap3A_409, %swap3A_410] {strides = array<i32>} : memref<200x128xi32, #tpu.memory_space<vmem>>, vector<16xi32>,
        tpu.vector_store %swap3A_408[%swap3A_409, %swap3A_410], %gather3A_324 {strides = array<i32>} : memref<200x128xi32, #tpu.memory_space<vmem>>, vector<16xi32>,
        %add3A_412 = arith.constant 1 : i32
        %add3A_413 = arith.addi %mul3A_173, %add3A_412 : i32
        %swap3A_414 = arith.constant 0 : i32
        %swap3A_415 = arith.constant 0 : i32
        %swap3A_416 = tpu.memref_slice %arg7[%scan3A_91, %swap3A_414, %swap3A_415] : memref<2x200x128xi32, #tpu.memory_space<vmem>> -> memref<1x200x128xi32, #tpu.memory_space<vmem>>
        %swap3A_417 = tpu.memref_squeeze %swap3A_416 : memref<1x200x128xi32, #tpu.memory_space<vmem>> -> memref<200x128xi32, #tpu.memory_space<vmem>>
        %swap3A_418 = arith.index_cast %add3A_413 : i32 to index
        %swap3A_419 = arith.constant 16 : index
        %swap3A_420 = tpu.vector_load %swap3A_417[%swap3A_418, %swap3A_419] {strides = array<i32>} : memref<200x128xi32, #tpu.memory_space<vmem>>, vector<16xi32>,
        tpu.vector_store %swap3A_417[%swap3A_418, %swap3A_419], %gather3A_325 {strides = array<i32>} : memref<200x128xi32, #tpu.memory_space<vmem>>, vector<16xi32>,
        %add3A_421 = arith.constant 1 : i32
        %add3A_422 = arith.addi %mul3A_173, %add3A_421 : i32
        %swap3A_423 = arith.constant 0 : i32
        %swap3A_424 = arith.constant 0 : i32
        %swap3A_425 = tpu.memref_slice %arg7[%scan3A_91, %swap3A_423, %swap3A_424] : memref<2x200x128xi32, #tpu.memory_space<vmem>> -> memref<1x200x128xi32, #tpu.memory_space<vmem>>
        %swap3A_426 = tpu.memref_squeeze %swap3A_425 : memref<1x200x128xi32, #tpu.memory_space<vmem>> -> memref<200x128xi32, #tpu.memory_space<vmem>>
        %swap3A_427 = arith.index_cast %add3A_422 : i32 to index
        %swap3A_428 = arith.constant 32 : index
        %swap3A_429 = tpu.vector_load %swap3A_426[%swap3A_427, %swap3A_428] {strides = array<i32>} : memref<200x128xi32, #tpu.memory_space<vmem>>, vector<16xi32>,
        tpu.vector_store %swap3A_426[%swap3A_427, %swap3A_428], %gather3A_326 {strides = array<i32>} : memref<200x128xi32, #tpu.memory_space<vmem>>, vector<16xi32>,
        %add3A_430 = arith.constant 1 : i32
        %add3A_431 = arith.addi %mul3A_173, %add3A_430 : i32
        %swap3A_432 = arith.constant 0 : i32
        %swap3A_433 = arith.constant 0 : i32
        %swap3A_434 = tpu.memref_slice %arg7[%scan3A_91, %swap3A_432, %swap3A_433] : memref<2x200x128xi32, #tpu.memory_space<vmem>> -> memref<1x200x128xi32, #tpu.memory_space<vmem>>
        %swap3A_435 = tpu.memref_squeeze %swap3A_434 : memref<1x200x128xi32, #tpu.memory_space<vmem>> -> memref<200x128xi32, #tpu.memory_space<vmem>>
        %swap3A_436 = arith.index_cast %add3A_431 : i32 to index
        %swap3A_437 = arith.constant 48 : index
        %swap3A_438 = tpu.vector_load %swap3A_435[%swap3A_436, %swap3A_437] {strides = array<i32>} : memref<200x128xi32, #tpu.memory_space<vmem>>, vector<16xi32>,
        tpu.vector_store %swap3A_435[%swap3A_436, %swap3A_437], %gather3A_327 {strides = array<i32>} : memref<200x128xi32, #tpu.memory_space<vmem>>, vector<16xi32>,
        %add3A_439 = arith.constant 1 : i32
        %add3A_440 = arith.addi %mul3A_173, %add3A_439 : i32
        %swap3A_441 = arith.constant 0 : i32
        %swap3A_442 = arith.constant 0 : i32
        %swap3A_443 = tpu.memref_slice %arg7[%scan3A_91, %swap3A_441, %swap3A_442] : memref<2x200x128xi32, #tpu.memory_space<vmem>> -> memref<1x200x128xi32, #tpu.memory_space<vmem>>
        %swap3A_444 = tpu.memref_squeeze %swap3A_443 : memref<1x200x128xi32, #tpu.memory_space<vmem>> -> memref<200x128xi32, #tpu.memory_space<vmem>>
        %swap3A_445 = arith.index_cast %add3A_440 : i32 to index
        %swap3A_446 = arith.constant 64 : index
        %swap3A_447 = tpu.vector_load %swap3A_444[%swap3A_445, %swap3A_446] {strides = array<i32>} : memref<200x128xi32, #tpu.memory_space<vmem>>, vector<16xi32>,
        tpu.vector_store %swap3A_444[%swap3A_445, %swap3A_446], %gather3A_328 {strides = array<i32>} : memref<200x128xi32, #tpu.memory_space<vmem>>, vector<16xi32>,
        %add3A_448 = arith.constant 1 : i32
        %add3A_449 = arith.addi %mul3A_173, %add3A_448 : i32
        %swap3A_450 = arith.constant 0 : i32
        %swap3A_451 = arith.constant 0 : i32
        %swap3A_452 = tpu.memref_slice %arg7[%scan3A_91, %swap3A_450, %swap3A_451] : memref<2x200x128xi32, #tpu.memory_space<vmem>> -> memref<1x200x128xi32, #tpu.memory_space<vmem>>
        %swap3A_453 = tpu.memref_squeeze %swap3A_452 : memref<1x200x128xi32, #tpu.memory_space<vmem>> -> memref<200x128xi32, #tpu.memory_space<vmem>>
        %swap3A_454 = arith.index_cast %add3A_449 : i32 to index
        %swap3A_455 = arith.constant 80 : index
        %swap3A_456 = tpu.vector_load %swap3A_453[%swap3A_454, %swap3A_455] {strides = array<i32>} : memref<200x128xi32, #tpu.memory_space<vmem>>, vector<16xi32>,
        tpu.vector_store %swap3A_453[%swap3A_454, %swap3A_455], %gather3A_329 {strides = array<i32>} : memref<200x128xi32, #tpu.memory_space<vmem>>, vector<16xi32>,
        %add3A_457 = arith.constant 1 : i32
        %add3A_458 = arith.addi %mul3A_173, %add3A_457 : i32
        %swap3A_459 = arith.constant 0 : i32
        %swap3A_460 = arith.constant 0 : i32
        %swap3A_461 = tpu.memref_slice %arg7[%scan3A_91, %swap3A_459, %swap3A_460] : memref<2x200x128xi32, #tpu.memory_space<vmem>> -> memref<1x200x128xi32, #tpu.memory_space<vmem>>
        %swap3A_462 = tpu.memref_squeeze %swap3A_461 : memref<1x200x128xi32, #tpu.memory_space<vmem>> -> memref<200x128xi32, #tpu.memory_space<vmem>>
        %swap3A_463 = arith.index_cast %add3A_458 : i32 to index
        %swap3A_464 = arith.constant 96 : index
        %swap3A_465 = tpu.vector_load %swap3A_462[%swap3A_463, %swap3A_464] {strides = array<i32>} : memref<200x128xi32, #tpu.memory_space<vmem>>, vector<16xi32>,
        tpu.vector_store %swap3A_462[%swap3A_463, %swap3A_464], %gather3A_330 {strides = array<i32>} : memref<200x128xi32, #tpu.memory_space<vmem>>, vector<16xi32>,
        %add3A_466 = arith.constant 1 : i32
        %add3A_467 = arith.addi %mul3A_173, %add3A_466 : i32
        %swap3A_468 = arith.constant 0 : i32
        %swap3A_469 = arith.constant 0 : i32
        %swap3A_470 = tpu.memref_slice %arg7[%scan3A_91, %swap3A_468, %swap3A_469] : memref<2x200x128xi32, #tpu.memory_space<vmem>> -> memref<1x200x128xi32, #tpu.memory_space<vmem>>
        %swap3A_471 = tpu.memref_squeeze %swap3A_470 : memref<1x200x128xi32, #tpu.memory_space<vmem>> -> memref<200x128xi32, #tpu.memory_space<vmem>>
        %swap3A_472 = arith.index_cast %add3A_467 : i32 to index
        %swap3A_473 = arith.constant 112 : index
        %swap3A_474 = tpu.vector_load %swap3A_471[%swap3A_472, %swap3A_473] {strides = array<i32>} : memref<200x128xi32, #tpu.memory_space<vmem>>, vector<16xi32>,
        tpu.vector_store %swap3A_471[%swap3A_472, %swap3A_473], %gather3A_331 {strides = array<i32>} : memref<200x128xi32, #tpu.memory_space<vmem>>, vector<16xi32>,
      }
      %scan3A_96 = arith.constant 100 : i32
      %mul3A_97 = arith.constant 128 : i32
      %mul3A_98 = arith.muli %mul3A_68, %mul3A_97 : i32
      %add3A_99 = arith.addi %mul3A_2, %mul3A_98 : i32
      %dma_start3A_100 = arith.constant 0 : i32
      %dma_start3A_101 = arith.constant 0 : i32
      %dma_start3A_102 = arith.constant 0 : i32
      %dma_start3A_103 = tpu.memref_slice %arg7[%dma_start3A_100, %dma_start3A_101, %dma_start3A_102] : memref<2x200x128xi32, #tpu.memory_space<vmem>> -> memref<1x200x128xi32, #tpu.memory_space<vmem>>
      %dma_start3A_104 = tpu.memref_squeeze %dma_start3A_103 : memref<1x200x128xi32, #tpu.memory_space<vmem>> -> memref<200x128xi32, #tpu.memory_space<vmem>>
      %dma_start3A_105 = arith.constant 0 : i32
      %dma_start3A_106 = tpu.memref_slice %arg4[%dma_start3A_105, %add3A_99] : memref<200x16384xi32, #tpu.memory_space<hbm>> -> memref<200x128xi32, #tpu.memory_space<hbm>>
      %dma_start3A_107 = arith.constant 0 : i32
      %dma_start3A_108 = tpu.memref_slice %arg4[%dma_start3A_107, %add3A_99] : memref<200x16384xi32, #tpu.memory_space<hbm>> -> memref<200x128xi32, #tpu.memory_space<hbm>>
      %dma_start3A_109 = arith.constant 0 : i32
      %dma_start3A_110 = arith.constant 0 : i32
      %dma_start3A_111 = tpu.memref_slice %arg7[%dma_start3A_100, %dma_start3A_109, %dma_start3A_110] : memref<2x200x128xi32, #tpu.memory_space<vmem>> -> memref<1x200x128xi32, #tpu.memory_space<vmem>>
      %dma_start3A_112 = tpu.memref_squeeze %dma_start3A_111 : memref<1x200x128xi32, #tpu.memory_space<vmem>> -> memref<200x128xi32, #tpu.memory_space<vmem>>
      tpu.enqueue_dma source(%dma_start3A_112 : memref<200x128xi32, #tpu.memory_space<vmem>>) target(%dma_start3A_108 : memref<200x128xi32, #tpu.memory_space<hbm>>) target_semaphore(%arg10 : memref<!tpu.dma_semaphore, #tpu.memory_space<semaphore_mem>>)
      %add3A_113 = arith.constant 2 : i32
      %add3A_114 = arith.addi %mul3A_68, %add3A_113 : i32
      %lt3A = arith.constant 4 : i32
      %lt3A_115 = arith.cmpi slt, %add3A_114, %lt3A : i32
      %convert_element_type3A_116 = arith.extui %lt3A_115 : i1 to i32
      %cond3A_117 = arith.constant 0 : i32
      %cond3A_118 = arith.cmpi ne, %convert_element_type3A_116, %cond3A_117 : i32
      scf.if %cond3A_118 {
        %add3A_171 = arith.constant 2 : i32
        %add3A_172 = arith.addi %mul3A_68, %add3A_171 : i32
        %mul3A_173 = arith.constant 128 : i32
        %mul3A_174 = arith.muli %add3A_172, %mul3A_173 : i32
        %add3A_175 = arith.addi %mul3A_2, %mul3A_174 : i32
        %dma_start3A_176 = arith.constant 0 : i32
        %dma_start3A_177 = arith.constant 0 : i32
        %dma_start3A_178 = arith.constant 0 : i32
        %dma_start3A_179 = tpu.memref_slice %arg6[%dma_start3A_176, %dma_start3A_177, %dma_start3A_178] : memref<2x200x128xi32, #tpu.memory_space<vmem>> -> memref<1x200x128xi32, #tpu.memory_space<vmem>>
        %dma_start3A_180 = tpu.memref_squeeze %dma_start3A_179 : memref<1x200x128xi32, #tpu.memory_space<vmem>> -> memref<200x128xi32, #tpu.memory_space<vmem>>
        %dma_start3A_181 = arith.constant 0 : i32
        %dma_start3A_182 = tpu.memref_slice %arg2[%dma_start3A_181, %add3A_175] : memref<200x16384xi32, #tpu.memory_space<hbm>> -> memref<200x128xi32, #tpu.memory_space<hbm>>
        %dma_start3A_183 = arith.constant 0 : i32
        %dma_start3A_184 = arith.constant 0 : i32
        %dma_start3A_185 = tpu.memref_slice %arg6[%dma_start3A_176, %dma_start3A_183, %dma_start3A_184] : memref<2x200x128xi32, #tpu.memory_space<vmem>> -> memref<1x200x128xi32, #tpu.memory_space<vmem>>
        %dma_start3A_186 = tpu.memref_squeeze %dma_start3A_185 : memref<1x200x128xi32, #tpu.memory_space<vmem>> -> memref<200x128xi32, #tpu.memory_space<vmem>>
        %dma_start3A_187 = arith.constant 0 : i32
        %dma_start3A_188 = tpu.memref_slice %arg2[%dma_start3A_187, %add3A_175] : memref<200x16384xi32, #tpu.memory_space<hbm>> -> memref<200x128xi32, #tpu.memory_space<hbm>>
        tpu.enqueue_dma source(%dma_start3A_188 : memref<200x128xi32, #tpu.memory_space<hbm>>) target(%dma_start3A_186 : memref<200x128xi32, #tpu.memory_space<vmem>>) target_semaphore(%arg8 : memref<!tpu.dma_semaphore, #tpu.memory_space<semaphore_mem>>)
      } else {
      }
      %mul3A_119 = arith.constant 128 : i32
      %mul3A_120 = arith.muli %add3A_70, %mul3A_119 : i32
      %add3A_121 = arith.addi %mul3A_2, %mul3A_120 : i32
      %dma_wait3A_122 = arith.constant 1 : i32
      %dma_wait3A_123 = arith.constant 0 : i32
      %dma_wait3A_124 = arith.constant 0 : i32
      %dma_wait3A_125 = tpu.memref_slice %arg6[%dma_wait3A_122, %dma_wait3A_123, %dma_wait3A_124] : memref<2x200x128xi32, #tpu.memory_space<vmem>> -> memref<1x200x128xi32, #tpu.memory_space<vmem>>
      %dma_wait3A_126 = tpu.memref_squeeze %dma_wait3A_125 : memref<1x200x128xi32, #tpu.memory_space<vmem>> -> memref<200x128xi32, #tpu.memory_space<vmem>>
      %dma_wait3A_127 = arith.constant 0 : i32
      %dma_wait3A_128 = tpu.memref_slice %arg2[%dma_wait3A_127, %add3A_121] : memref<200x16384xi32, #tpu.memory_space<hbm>> -> memref<200x128xi32, #tpu.memory_space<hbm>>
      %dma_wait3A_129 = arith.constant 0 : i32
      %dma_wait3A_130 = arith.constant 0 : i32
      %dma_wait3A_131 = tpu.memref_slice %arg6[%dma_wait3A_122, %dma_wait3A_129, %dma_wait3A_130] : memref<2x200x128xi32, #tpu.memory_space<vmem>> -> memref<1x200x128xi32, #tpu.memory_space<vmem>>
      %dma_wait3A_132 = tpu.memref_squeeze %dma_wait3A_131 : memref<1x200x128xi32, #tpu.memory_space<vmem>> -> memref<200x128xi32, #tpu.memory_space<vmem>>
      %dma_wait3A_133 = arith.constant 0 : i32
      %dma_wait3A_134 = tpu.memref_slice %arg2[%dma_wait3A_133, %add3A_121] : memref<200x16384xi32, #tpu.memory_space<hbm>> -> memref<200x128xi32, #tpu.memory_space<hbm>>
      tpu.wait_dma2 semaphore(%arg9 : memref<!tpu.dma_semaphore, #tpu.memory_space<semaphore_mem>>) src(%dma_wait3A_134 : memref<200x128xi32, #tpu.memory_space<hbm>>) dst(%dma_wait3A_132 : memref<200x128xi32, #tpu.memory_space<vmem>>)
      %gt3A_135 = arith.constant 0 : i32
      %gt3A_136 = arith.cmpi sgt, %scan3A_66, %gt3A_135 : i32
      %convert_element_type3A_137 = arith.extui %gt3A_136 : i1 to i32
      %cond3A_138 = arith.constant 0 : i32
      %cond3A_139 = arith.cmpi ne, %convert_element_type3A_137, %cond3A_138 : i32
      scf.if %cond3A_139 {
        %mul3A_171 = arith.constant 128 : i32
        %mul3A_172 = arith.muli %add3A_70, %mul3A_171 : i32
        %add3A_173 = arith.addi %mul3A_2, %mul3A_172 : i32
        %dma_wait3A_174 = arith.constant 1 : i32
        %dma_wait3A_175 = arith.constant 0 : i32
        %dma_wait3A_176 = arith.constant 0 : i32
        %dma_wait3A_177 = tpu.memref_slice %arg7[%dma_wait3A_174, %dma_wait3A_175, %dma_wait3A_176] : memref<2x200x128xi32, #tpu.memory_space<vmem>> -> memref<1x200x128xi32, #tpu.memory_space<vmem>>
        %dma_wait3A_178 = tpu.memref_squeeze %dma_wait3A_177 : memref<1x200x128xi32, #tpu.memory_space<vmem>> -> memref<200x128xi32, #tpu.memory_space<vmem>>
        %dma_wait3A_179 = arith.constant 0 : i32
        %dma_wait3A_180 = tpu.memref_slice %arg4[%dma_wait3A_179, %add3A_173] : memref<200x16384xi32, #tpu.memory_space<hbm>> -> memref<200x128xi32, #tpu.memory_space<hbm>>
        %dma_wait3A_181 = arith.constant 0 : i32
        %dma_wait3A_182 = tpu.memref_slice %arg4[%dma_wait3A_181, %add3A_173] : memref<200x16384xi32, #tpu.memory_space<hbm>> -> memref<200x128xi32, #tpu.memory_space<hbm>>
        %dma_wait3A_183 = arith.constant 0 : i32
        %dma_wait3A_184 = arith.constant 0 : i32
        %dma_wait3A_185 = tpu.memref_slice %arg7[%dma_wait3A_174, %dma_wait3A_183, %dma_wait3A_184] : memref<2x200x128xi32, #tpu.memory_space<vmem>> -> memref<1x200x128xi32, #tpu.memory_space<vmem>>
        %dma_wait3A_186 = tpu.memref_squeeze %dma_wait3A_185 : memref<1x200x128xi32, #tpu.memory_space<vmem>> -> memref<200x128xi32, #tpu.memory_space<vmem>>
        tpu.wait_dma2 semaphore(%arg11 : memref<!tpu.dma_semaphore, #tpu.memory_space<semaphore_mem>>) src(%dma_wait3A_186 : memref<200x128xi32, #tpu.memory_space<vmem>>) dst(%dma_wait3A_182 : memref<200x128xi32, #tpu.memory_space<hbm>>)
      } else {
      }
      %scan3A_140 = arith.constant 0 : i32
      %scan3A_141 = arith.constant 1 : i32
      %scan3A_142 = arith.constant 1 : i32
      %scan3A_143 = arith.constant 0 : i32
      %scan3A_144 = arith.constant 100 : i32
      %scan3A_145 = arith.addi %scan3A_143, %scan3A_144 : i32
      %scan3A_146 = arith.constant 1 : i32
      scf.for %scan3A_171 = %scan3A_143 to %scan3A_145 step %scan3A_146  : i32 {
        %mul3A_172 = arith.constant 2 : i32
        %mul3A_173 = arith.muli %scan3A_171, %mul3A_172 : i32
        %add3A_174 = arith.constant 0 : i32
        %add3A_175 = arith.addi %mul3A_173, %add3A_174 : i32
        %get3A = arith.constant 0 : i32
        %get3A_176 = arith.constant 0 : i32
        %get3A_177 = tpu.memref_slice %arg6[%scan3A_141, %get3A, %get3A_176] : memref<2x200x128xi32, #tpu.memory_space<vmem>> -> memref<1x200x128xi32, #tpu.memory_space<vmem>>
        %get3A_178 = tpu.memref_squeeze %get3A_177 : memref<1x200x128xi32, #tpu.memory_space<vmem>> -> memref<200x128xi32, #tpu.memory_space<vmem>>
        %get3A_179 = arith.index_cast %add3A_175 : i32 to index
        %get3A_180 = arith.constant 0 : index
        %get3A_181 = tpu.vector_load %get3A_178[%get3A_179, %get3A_180] {strides = array<i32>} : memref<200x128xi32, #tpu.memory_space<vmem>>, vector<16xi32>,
        %add3A_182 = arith.constant 0 : i32
        %add3A_183 = arith.addi %mul3A_173, %add3A_182 : i32
        %get3A_184 = arith.constant 0 : i32
        %get3A_185 = arith.constant 0 : i32
        %get3A_186 = tpu.memref_slice %arg6[%scan3A_141, %get3A_184, %get3A_185] : memref<2x200x128xi32, #tpu.memory_space<vmem>> -> memref<1x200x128xi32, #tpu.memory_space<vmem>>
        %get3A_187 = tpu.memref_squeeze %get3A_186 : memref<1x200x128xi32, #tpu.memory_space<vmem>> -> memref<200x128xi32, #tpu.memory_space<vmem>>
        %get3A_188 = arith.index_cast %add3A_183 : i32 to index
        %get3A_189 = arith.constant 16 : index
        %get3A_190 = tpu.vector_load %get3A_187[%get3A_188, %get3A_189] {strides = array<i32>} : memref<200x128xi32, #tpu.memory_space<vmem>>, vector<16xi32>,
        %add3A_191 = arith.constant 0 : i32
        %add3A_192 = arith.addi %mul3A_173, %add3A_191 : i32
        %get3A_193 = arith.constant 0 : i32
        %get3A_194 = arith.constant 0 : i32
        %get3A_195 = tpu.memref_slice %arg6[%scan3A_141, %get3A_193, %get3A_194] : memref<2x200x128xi32, #tpu.memory_space<vmem>> -> memref<1x200x128xi32, #tpu.memory_space<vmem>>
        %get3A_196 = tpu.memref_squeeze %get3A_195 : memref<1x200x128xi32, #tpu.memory_space<vmem>> -> memref<200x128xi32, #tpu.memory_space<vmem>>
        %get3A_197 = arith.index_cast %add3A_192 : i32 to index
        %get3A_198 = arith.constant 32 : index
        %get3A_199 = tpu.vector_load %get3A_196[%get3A_197, %get3A_198] {strides = array<i32>} : memref<200x128xi32, #tpu.memory_space<vmem>>, vector<16xi32>,
        %add3A_200 = arith.constant 0 : i32
        %add3A_201 = arith.addi %mul3A_173, %add3A_200 : i32
        %get3A_202 = arith.constant 0 : i32
        %get3A_203 = arith.constant 0 : i32
        %get3A_204 = tpu.memref_slice %arg6[%scan3A_141, %get3A_202, %get3A_203] : memref<2x200x128xi32, #tpu.memory_space<vmem>> -> memref<1x200x128xi32, #tpu.memory_space<vmem>>
        %get3A_205 = tpu.memref_squeeze %get3A_204 : memref<1x200x128xi32, #tpu.memory_space<vmem>> -> memref<200x128xi32, #tpu.memory_space<vmem>>
        %get3A_206 = arith.index_cast %add3A_201 : i32 to index
        %get3A_207 = arith.constant 48 : index
        %get3A_208 = tpu.vector_load %get3A_205[%get3A_206, %get3A_207] {strides = array<i32>} : memref<200x128xi32, #tpu.memory_space<vmem>>, vector<16xi32>,
        %add3A_209 = arith.constant 0 : i32
        %add3A_210 = arith.addi %mul3A_173, %add3A_209 : i32
        %get3A_211 = arith.constant 0 : i32
        %get3A_212 = arith.constant 0 : i32
        %get3A_213 = tpu.memref_slice %arg6[%scan3A_141, %get3A_211, %get3A_212] : memref<2x200x128xi32, #tpu.memory_space<vmem>> -> memref<1x200x128xi32, #tpu.memory_space<vmem>>
        %get3A_214 = tpu.memref_squeeze %get3A_213 : memref<1x200x128xi32, #tpu.memory_space<vmem>> -> memref<200x128xi32, #tpu.memory_space<vmem>>
        %get3A_215 = arith.index_cast %add3A_210 : i32 to index
        %get3A_216 = arith.constant 64 : index
        %get3A_217 = tpu.vector_load %get3A_214[%get3A_215, %get3A_216] {strides = array<i32>} : memref<200x128xi32, #tpu.memory_space<vmem>>, vector<16xi32>,
        %add3A_218 = arith.constant 0 : i32
        %add3A_219 = arith.addi %mul3A_173, %add3A_218 : i32
        %get3A_220 = arith.constant 0 : i32
        %get3A_221 = arith.constant 0 : i32
        %get3A_222 = tpu.memref_slice %arg6[%scan3A_141, %get3A_220, %get3A_221] : memref<2x200x128xi32, #tpu.memory_space<vmem>> -> memref<1x200x128xi32, #tpu.memory_space<vmem>>
        %get3A_223 = tpu.memref_squeeze %get3A_222 : memref<1x200x128xi32, #tpu.memory_space<vmem>> -> memref<200x128xi32, #tpu.memory_space<vmem>>
        %get3A_224 = arith.index_cast %add3A_219 : i32 to index
        %get3A_225 = arith.constant 80 : index
        %get3A_226 = tpu.vector_load %get3A_223[%get3A_224, %get3A_225] {strides = array<i32>} : memref<200x128xi32, #tpu.memory_space<vmem>>, vector<16xi32>,
        %add3A_227 = arith.constant 0 : i32
        %add3A_228 = arith.addi %mul3A_173, %add3A_227 : i32
        %get3A_229 = arith.constant 0 : i32
        %get3A_230 = arith.constant 0 : i32
        %get3A_231 = tpu.memref_slice %arg6[%scan3A_141, %get3A_229, %get3A_230] : memref<2x200x128xi32, #tpu.memory_space<vmem>> -> memref<1x200x128xi32, #tpu.memory_space<vmem>>
        %get3A_232 = tpu.memref_squeeze %get3A_231 : memref<1x200x128xi32, #tpu.memory_space<vmem>> -> memref<200x128xi32, #tpu.memory_space<vmem>>
        %get3A_233 = arith.index_cast %add3A_228 : i32 to index
        %get3A_234 = arith.constant 96 : index
        %get3A_235 = tpu.vector_load %get3A_232[%get3A_233, %get3A_234] {strides = array<i32>} : memref<200x128xi32, #tpu.memory_space<vmem>>, vector<16xi32>,
        %add3A_236 = arith.constant 0 : i32
        %add3A_237 = arith.addi %mul3A_173, %add3A_236 : i32
        %get3A_238 = arith.constant 0 : i32
        %get3A_239 = arith.constant 0 : i32
        %get3A_240 = tpu.memref_slice %arg6[%scan3A_141, %get3A_238, %get3A_239] : memref<2x200x128xi32, #tpu.memory_space<vmem>> -> memref<1x200x128xi32, #tpu.memory_space<vmem>>
        %get3A_241 = tpu.memref_squeeze %get3A_240 : memref<1x200x128xi32, #tpu.memory_space<vmem>> -> memref<200x128xi32, #tpu.memory_space<vmem>>
        %get3A_242 = arith.index_cast %add3A_237 : i32 to index
        %get3A_243 = arith.constant 112 : index
        %get3A_244 = tpu.vector_load %get3A_241[%get3A_242, %get3A_243] {strides = array<i32>} : memref<200x128xi32, #tpu.memory_space<vmem>>, vector<16xi32>,
        %add3A_245 = arith.constant 1 : i32
        %add3A_246 = arith.addi %mul3A_173, %add3A_245 : i32
        %get3A_247 = arith.constant 0 : i32
        %get3A_248 = arith.constant 0 : i32
        %get3A_249 = tpu.memref_slice %arg6[%scan3A_141, %get3A_247, %get3A_248] : memref<2x200x128xi32, #tpu.memory_space<vmem>> -> memref<1x200x128xi32, #tpu.memory_space<vmem>>
        %get3A_250 = tpu.memref_squeeze %get3A_249 : memref<1x200x128xi32, #tpu.memory_space<vmem>> -> memref<200x128xi32, #tpu.memory_space<vmem>>
        %get3A_251 = arith.index_cast %add3A_246 : i32 to index
        %get3A_252 = arith.constant 0 : index
        %get3A_253 = tpu.vector_load %get3A_250[%get3A_251, %get3A_252] {strides = array<i32>} : memref<200x128xi32, #tpu.memory_space<vmem>>, vector<16xi32>,
        %add3A_254 = arith.constant 1 : i32
        %add3A_255 = arith.addi %mul3A_173, %add3A_254 : i32
        %get3A_256 = arith.constant 0 : i32
        %get3A_257 = arith.constant 0 : i32
        %get3A_258 = tpu.memref_slice %arg6[%scan3A_141, %get3A_256, %get3A_257] : memref<2x200x128xi32, #tpu.memory_space<vmem>> -> memref<1x200x128xi32, #tpu.memory_space<vmem>>
        %get3A_259 = tpu.memref_squeeze %get3A_258 : memref<1x200x128xi32, #tpu.memory_space<vmem>> -> memref<200x128xi32, #tpu.memory_space<vmem>>
        %get3A_260 = arith.index_cast %add3A_255 : i32 to index
        %get3A_261 = arith.constant 16 : index
        %get3A_262 = tpu.vector_load %get3A_259[%get3A_260, %get3A_261] {strides = array<i32>} : memref<200x128xi32, #tpu.memory_space<vmem>>, vector<16xi32>,
        %add3A_263 = arith.constant 1 : i32
        %add3A_264 = arith.addi %mul3A_173, %add3A_263 : i32
        %get3A_265 = arith.constant 0 : i32
        %get3A_266 = arith.constant 0 : i32
        %get3A_267 = tpu.memref_slice %arg6[%scan3A_141, %get3A_265, %get3A_266] : memref<2x200x128xi32, #tpu.memory_space<vmem>> -> memref<1x200x128xi32, #tpu.memory_space<vmem>>
        %get3A_268 = tpu.memref_squeeze %get3A_267 : memref<1x200x128xi32, #tpu.memory_space<vmem>> -> memref<200x128xi32, #tpu.memory_space<vmem>>
        %get3A_269 = arith.index_cast %add3A_264 : i32 to index
        %get3A_270 = arith.constant 32 : index
        %get3A_271 = tpu.vector_load %get3A_268[%get3A_269, %get3A_270] {strides = array<i32>} : memref<200x128xi32, #tpu.memory_space<vmem>>, vector<16xi32>,
        %add3A_272 = arith.constant 1 : i32
        %add3A_273 = arith.addi %mul3A_173, %add3A_272 : i32
        %get3A_274 = arith.constant 0 : i32
        %get3A_275 = arith.constant 0 : i32
        %get3A_276 = tpu.memref_slice %arg6[%scan3A_141, %get3A_274, %get3A_275] : memref<2x200x128xi32, #tpu.memory_space<vmem>> -> memref<1x200x128xi32, #tpu.memory_space<vmem>>
        %get3A_277 = tpu.memref_squeeze %get3A_276 : memref<1x200x128xi32, #tpu.memory_space<vmem>> -> memref<200x128xi32, #tpu.memory_space<vmem>>
        %get3A_278 = arith.index_cast %add3A_273 : i32 to index
        %get3A_279 = arith.constant 48 : index
        %get3A_280 = tpu.vector_load %get3A_277[%get3A_278, %get3A_279] {strides = array<i32>} : memref<200x128xi32, #tpu.memory_space<vmem>>, vector<16xi32>,
        %add3A_281 = arith.constant 1 : i32
        %add3A_282 = arith.addi %mul3A_173, %add3A_281 : i32
        %get3A_283 = arith.constant 0 : i32
        %get3A_284 = arith.constant 0 : i32
        %get3A_285 = tpu.memref_slice %arg6[%scan3A_141, %get3A_283, %get3A_284] : memref<2x200x128xi32, #tpu.memory_space<vmem>> -> memref<1x200x128xi32, #tpu.memory_space<vmem>>
        %get3A_286 = tpu.memref_squeeze %get3A_285 : memref<1x200x128xi32, #tpu.memory_space<vmem>> -> memref<200x128xi32, #tpu.memory_space<vmem>>
        %get3A_287 = arith.index_cast %add3A_282 : i32 to index
        %get3A_288 = arith.constant 64 : index
        %get3A_289 = tpu.vector_load %get3A_286[%get3A_287, %get3A_288] {strides = array<i32>} : memref<200x128xi32, #tpu.memory_space<vmem>>, vector<16xi32>,
        %add3A_290 = arith.constant 1 : i32
        %add3A_291 = arith.addi %mul3A_173, %add3A_290 : i32
        %get3A_292 = arith.constant 0 : i32
        %get3A_293 = arith.constant 0 : i32
        %get3A_294 = tpu.memref_slice %arg6[%scan3A_141, %get3A_292, %get3A_293] : memref<2x200x128xi32, #tpu.memory_space<vmem>> -> memref<1x200x128xi32, #tpu.memory_space<vmem>>
        %get3A_295 = tpu.memref_squeeze %get3A_294 : memref<1x200x128xi32, #tpu.memory_space<vmem>> -> memref<200x128xi32, #tpu.memory_space<vmem>>
        %get3A_296 = arith.index_cast %add3A_291 : i32 to index
        %get3A_297 = arith.constant 80 : index
        %get3A_298 = tpu.vector_load %get3A_295[%get3A_296, %get3A_297] {strides = array<i32>} : memref<200x128xi32, #tpu.memory_space<vmem>>, vector<16xi32>,
        %add3A_299 = arith.constant 1 : i32
        %add3A_300 = arith.addi %mul3A_173, %add3A_299 : i32
        %get3A_301 = arith.constant 0 : i32
        %get3A_302 = arith.constant 0 : i32
        %get3A_303 = tpu.memref_slice %arg6[%scan3A_141, %get3A_301, %get3A_302] : memref<2x200x128xi32, #tpu.memory_space<vmem>> -> memref<1x200x128xi32, #tpu.memory_space<vmem>>
        %get3A_304 = tpu.memref_squeeze %get3A_303 : memref<1x200x128xi32, #tpu.memory_space<vmem>> -> memref<200x128xi32, #tpu.memory_space<vmem>>
        %get3A_305 = arith.index_cast %add3A_300 : i32 to index
        %get3A_306 = arith.constant 96 : index
        %get3A_307 = tpu.vector_load %get3A_304[%get3A_305, %get3A_306] {strides = array<i32>} : memref<200x128xi32, #tpu.memory_space<vmem>>, vector<16xi32>,
        %add3A_308 = arith.constant 1 : i32
        %add3A_309 = arith.addi %mul3A_173, %add3A_308 : i32
        %get3A_310 = arith.constant 0 : i32
        %get3A_311 = arith.constant 0 : i32
        %get3A_312 = tpu.memref_slice %arg6[%scan3A_141, %get3A_310, %get3A_311] : memref<2x200x128xi32, #tpu.memory_space<vmem>> -> memref<1x200x128xi32, #tpu.memory_space<vmem>>
        %get3A_313 = tpu.memref_squeeze %get3A_312 : memref<1x200x128xi32, #tpu.memory_space<vmem>> -> memref<200x128xi32, #tpu.memory_space<vmem>>
        %get3A_314 = arith.index_cast %add3A_309 : i32 to index
        %get3A_315 = arith.constant 112 : index
        %get3A_316 = tpu.vector_load %get3A_313[%get3A_314, %get3A_315] {strides = array<i32>} : memref<200x128xi32, #tpu.memory_space<vmem>>, vector<16xi32>,
        %gather3A = tpu.vector_load_idx %arg5[%get3A_181] : memref<120xi32, #tpu.memory_space<vmem>>[vector<16xi32>], vector<16xi32>,
        %gather3A_317 = tpu.vector_load_idx %arg5[%get3A_190] : memref<120xi32, #tpu.memory_space<vmem>>[vector<16xi32>], vector<16xi32>,
        %gather3A_318 = tpu.vector_load_idx %arg5[%get3A_199] : memref<120xi32, #tpu.memory_space<vmem>>[vector<16xi32>], vector<16xi32>,
        %gather3A_319 = tpu.vector_load_idx %arg5[%get3A_208] : memref<120xi32, #tpu.memory_space<vmem>>[vector<16xi32>], vector<16xi32>,
        %gather3A_320 = tpu.vector_load_idx %arg5[%get3A_217] : memref<120xi32, #tpu.memory_space<vmem>>[vector<16xi32>], vector<16xi32>,
        %gather3A_321 = tpu.vector_load_idx %arg5[%get3A_226] : memref<120xi32, #tpu.memory_space<vmem>>[vector<16xi32>], vector<16xi32>,
        %gather3A_322 = tpu.vector_load_idx %arg5[%get3A_235] : memref<120xi32, #tpu.memory_space<vmem>>[vector<16xi32>], vector<16xi32>,
        %gather3A_323 = tpu.vector_load_idx %arg5[%get3A_244] : memref<120xi32, #tpu.memory_space<vmem>>[vector<16xi32>], vector<16xi32>,
        %gather3A_324 = tpu.vector_load_idx %arg5[%get3A_253] : memref<120xi32, #tpu.memory_space<vmem>>[vector<16xi32>], vector<16xi32>,
        %gather3A_325 = tpu.vector_load_idx %arg5[%get3A_262] : memref<120xi32, #tpu.memory_space<vmem>>[vector<16xi32>], vector<16xi32>,
        %gather3A_326 = tpu.vector_load_idx %arg5[%get3A_271] : memref<120xi32, #tpu.memory_space<vmem>>[vector<16xi32>], vector<16xi32>,
        %gather3A_327 = tpu.vector_load_idx %arg5[%get3A_280] : memref<120xi32, #tpu.memory_space<vmem>>[vector<16xi32>], vector<16xi32>,
        %gather3A_328 = tpu.vector_load_idx %arg5[%get3A_289] : memref<120xi32, #tpu.memory_space<vmem>>[vector<16xi32>], vector<16xi32>,
        %gather3A_329 = tpu.vector_load_idx %arg5[%get3A_298] : memref<120xi32, #tpu.memory_space<vmem>>[vector<16xi32>], vector<16xi32>,
        %gather3A_330 = tpu.vector_load_idx %arg5[%get3A_307] : memref<120xi32, #tpu.memory_space<vmem>>[vector<16xi32>], vector<16xi32>,
        %gather3A_331 = tpu.vector_load_idx %arg5[%get3A_316] : memref<120xi32, #tpu.memory_space<vmem>>[vector<16xi32>], vector<16xi32>,
        %add3A_332 = arith.constant 0 : i32
        %add3A_333 = arith.addi %mul3A_173, %add3A_332 : i32
        %swap3A = arith.constant 0 : i32
        %swap3A_334 = arith.constant 0 : i32
        %swap3A_335 = tpu.memref_slice %arg7[%scan3A_142, %swap3A, %swap3A_334] : memref<2x200x128xi32, #tpu.memory_space<vmem>> -> memref<1x200x128xi32, #tpu.memory_space<vmem>>
        %swap3A_336 = tpu.memref_squeeze %swap3A_335 : memref<1x200x128xi32, #tpu.memory_space<vmem>> -> memref<200x128xi32, #tpu.memory_space<vmem>>
        %swap3A_337 = arith.index_cast %add3A_333 : i32 to index
        %swap3A_338 = arith.constant 0 : index
        %swap3A_339 = tpu.vector_load %swap3A_336[%swap3A_337, %swap3A_338] {strides = array<i32>} : memref<200x128xi32, #tpu.memory_space<vmem>>, vector<16xi32>,
        tpu.vector_store %swap3A_336[%swap3A_337, %swap3A_338], %gather3A {strides = array<i32>} : memref<200x128xi32, #tpu.memory_space<vmem>>, vector<16xi32>,
        %add3A_340 = arith.constant 0 : i32
        %add3A_341 = arith.addi %mul3A_173, %add3A_340 : i32
        %swap3A_342 = arith.constant 0 : i32
        %swap3A_343 = arith.constant 0 : i32
        %swap3A_344 = tpu.memref_slice %arg7[%scan3A_142, %swap3A_342, %swap3A_343] : memref<2x200x128xi32, #tpu.memory_space<vmem>> -> memref<1x200x128xi32, #tpu.memory_space<vmem>>
        %swap3A_345 = tpu.memref_squeeze %swap3A_344 : memref<1x200x128xi32, #tpu.memory_space<vmem>> -> memref<200x128xi32, #tpu.memory_space<vmem>>
        %swap3A_346 = arith.index_cast %add3A_341 : i32 to index
        %swap3A_347 = arith.constant 16 : index
        %swap3A_348 = tpu.vector_load %swap3A_345[%swap3A_346, %swap3A_347] {strides = array<i32>} : memref<200x128xi32, #tpu.memory_space<vmem>>, vector<16xi32>,
        tpu.vector_store %swap3A_345[%swap3A_346, %swap3A_347], %gather3A_317 {strides = array<i32>} : memref<200x128xi32, #tpu.memory_space<vmem>>, vector<16xi32>,
        %add3A_349 = arith.constant 0 : i32
        %add3A_350 = arith.addi %mul3A_173, %add3A_349 : i32
        %swap3A_351 = arith.constant 0 : i32
        %swap3A_352 = arith.constant 0 : i32
        %swap3A_353 = tpu.memref_slice %arg7[%scan3A_142, %swap3A_351, %swap3A_352] : memref<2x200x128xi32, #tpu.memory_space<vmem>> -> memref<1x200x128xi32, #tpu.memory_space<vmem>>
        %swap3A_354 = tpu.memref_squeeze %swap3A_353 : memref<1x200x128xi32, #tpu.memory_space<vmem>> -> memref<200x128xi32, #tpu.memory_space<vmem>>
        %swap3A_355 = arith.index_cast %add3A_350 : i32 to index
        %swap3A_356 = arith.constant 32 : index
        %swap3A_357 = tpu.vector_load %swap3A_354[%swap3A_355, %swap3A_356] {strides = array<i32>} : memref<200x128xi32, #tpu.memory_space<vmem>>, vector<16xi32>,
        tpu.vector_store %swap3A_354[%swap3A_355, %swap3A_356], %gather3A_318 {strides = array<i32>} : memref<200x128xi32, #tpu.memory_space<vmem>>, vector<16xi32>,
        %add3A_358 = arith.constant 0 : i32
        %add3A_359 = arith.addi %mul3A_173, %add3A_358 : i32
        %swap3A_360 = arith.constant 0 : i32
        %swap3A_361 = arith.constant 0 : i32
        %swap3A_362 = tpu.memref_slice %arg7[%scan3A_142, %swap3A_360, %swap3A_361] : memref<2x200x128xi32, #tpu.memory_space<vmem>> -> memref<1x200x128xi32, #tpu.memory_space<vmem>>
        %swap3A_363 = tpu.memref_squeeze %swap3A_362 : memref<1x200x128xi32, #tpu.memory_space<vmem>> -> memref<200x128xi32, #tpu.memory_space<vmem>>
        %swap3A_364 = arith.index_cast %add3A_359 : i32 to index
        %swap3A_365 = arith.constant 48 : index
        %swap3A_366 = tpu.vector_load %swap3A_363[%swap3A_364, %swap3A_365] {strides = array<i32>} : memref<200x128xi32, #tpu.memory_space<vmem>>, vector<16xi32>,
        tpu.vector_store %swap3A_363[%swap3A_364, %swap3A_365], %gather3A_319 {strides = array<i32>} : memref<200x128xi32, #tpu.memory_space<vmem>>, vector<16xi32>,
        %add3A_367 = arith.constant 0 : i32
        %add3A_368 = arith.addi %mul3A_173, %add3A_367 : i32
        %swap3A_369 = arith.constant 0 : i32
        %swap3A_370 = arith.constant 0 : i32
        %swap3A_371 = tpu.memref_slice %arg7[%scan3A_142, %swap3A_369, %swap3A_370] : memref<2x200x128xi32, #tpu.memory_space<vmem>> -> memref<1x200x128xi32, #tpu.memory_space<vmem>>
        %swap3A_372 = tpu.memref_squeeze %swap3A_371 : memref<1x200x128xi32, #tpu.memory_space<vmem>> -> memref<200x128xi32, #tpu.memory_space<vmem>>
        %swap3A_373 = arith.index_cast %add3A_368 : i32 to index
        %swap3A_374 = arith.constant 64 : index
        %swap3A_375 = tpu.vector_load %swap3A_372[%swap3A_373, %swap3A_374] {strides = array<i32>} : memref<200x128xi32, #tpu.memory_space<vmem>>, vector<16xi32>,
        tpu.vector_store %swap3A_372[%swap3A_373, %swap3A_374], %gather3A_320 {strides = array<i32>} : memref<200x128xi32, #tpu.memory_space<vmem>>, vector<16xi32>,
        %add3A_376 = arith.constant 0 : i32
        %add3A_377 = arith.addi %mul3A_173, %add3A_376 : i32
        %swap3A_378 = arith.constant 0 : i32
        %swap3A_379 = arith.constant 0 : i32
        %swap3A_380 = tpu.memref_slice %arg7[%scan3A_142, %swap3A_378, %swap3A_379] : memref<2x200x128xi32, #tpu.memory_space<vmem>> -> memref<1x200x128xi32, #tpu.memory_space<vmem>>
        %swap3A_381 = tpu.memref_squeeze %swap3A_380 : memref<1x200x128xi32, #tpu.memory_space<vmem>> -> memref<200x128xi32, #tpu.memory_space<vmem>>
        %swap3A_382 = arith.index_cast %add3A_377 : i32 to index
        %swap3A_383 = arith.constant 80 : index
        %swap3A_384 = tpu.vector_load %swap3A_381[%swap3A_382, %swap3A_383] {strides = array<i32>} : memref<200x128xi32, #tpu.memory_space<vmem>>, vector<16xi32>,
        tpu.vector_store %swap3A_381[%swap3A_382, %swap3A_383], %gather3A_321 {strides = array<i32>} : memref<200x128xi32, #tpu.memory_space<vmem>>, vector<16xi32>,
        %add3A_385 = arith.constant 0 : i32
        %add3A_386 = arith.addi %mul3A_173, %add3A_385 : i32
        %swap3A_387 = arith.constant 0 : i32
        %swap3A_388 = arith.constant 0 : i32
        %swap3A_389 = tpu.memref_slice %arg7[%scan3A_142, %swap3A_387, %swap3A_388] : memref<2x200x128xi32, #tpu.memory_space<vmem>> -> memref<1x200x128xi32, #tpu.memory_space<vmem>>
        %swap3A_390 = tpu.memref_squeeze %swap3A_389 : memref<1x200x128xi32, #tpu.memory_space<vmem>> -> memref<200x128xi32, #tpu.memory_space<vmem>>
        %swap3A_391 = arith.index_cast %add3A_386 : i32 to index
        %swap3A_392 = arith.constant 96 : index
        %swap3A_393 = tpu.vector_load %swap3A_390[%swap3A_391, %swap3A_392] {strides = array<i32>} : memref<200x128xi32, #tpu.memory_space<vmem>>, vector<16xi32>,
        tpu.vector_store %swap3A_390[%swap3A_391, %swap3A_392], %gather3A_322 {strides = array<i32>} : memref<200x128xi32, #tpu.memory_space<vmem>>, vector<16xi32>,
        %add3A_394 = arith.constant 0 : i32
        %add3A_395 = arith.addi %mul3A_173, %add3A_394 : i32
        %swap3A_396 = arith.constant 0 : i32
        %swap3A_397 = arith.constant 0 : i32
        %swap3A_398 = tpu.memref_slice %arg7[%scan3A_142, %swap3A_396, %swap3A_397] : memref<2x200x128xi32, #tpu.memory_space<vmem>> -> memref<1x200x128xi32, #tpu.memory_space<vmem>>
        %swap3A_399 = tpu.memref_squeeze %swap3A_398 : memref<1x200x128xi32, #tpu.memory_space<vmem>> -> memref<200x128xi32, #tpu.memory_space<vmem>>
        %swap3A_400 = arith.index_cast %add3A_395 : i32 to index
        %swap3A_401 = arith.constant 112 : index
        %swap3A_402 = tpu.vector_load %swap3A_399[%swap3A_400, %swap3A_401] {strides = array<i32>} : memref<200x128xi32, #tpu.memory_space<vmem>>, vector<16xi32>,
        tpu.vector_store %swap3A_399[%swap3A_400, %swap3A_401], %gather3A_323 {strides = array<i32>} : memref<200x128xi32, #tpu.memory_space<vmem>>, vector<16xi32>,
        %add3A_403 = arith.constant 1 : i32
        %add3A_404 = arith.addi %mul3A_173, %add3A_403 : i32
        %swap3A_405 = arith.constant 0 : i32
        %swap3A_406 = arith.constant 0 : i32
        %swap3A_407 = tpu.memref_slice %arg7[%scan3A_142, %swap3A_405, %swap3A_406] : memref<2x200x128xi32, #tpu.memory_space<vmem>> -> memref<1x200x128xi32, #tpu.memory_space<vmem>>
        %swap3A_408 = tpu.memref_squeeze %swap3A_407 : memref<1x200x128xi32, #tpu.memory_space<vmem>> -> memref<200x128xi32, #tpu.memory_space<vmem>>
        %swap3A_409 = arith.index_cast %add3A_404 : i32 to index
        %swap3A_410 = arith.constant 0 : index
        %swap3A_411 = tpu.vector_load %swap3A_408[%swap3A_409, %swap3A_410] {strides = array<i32>} : memref<200x128xi32, #tpu.memory_space<vmem>>, vector<16xi32>,
        tpu.vector_store %swap3A_408[%swap3A_409, %swap3A_410], %gather3A_324 {strides = array<i32>} : memref<200x128xi32, #tpu.memory_space<vmem>>, vector<16xi32>,
        %add3A_412 = arith.constant 1 : i32
        %add3A_413 = arith.addi %mul3A_173, %add3A_412 : i32
        %swap3A_414 = arith.constant 0 : i32
        %swap3A_415 = arith.constant 0 : i32
        %swap3A_416 = tpu.memref_slice %arg7[%scan3A_142, %swap3A_414, %swap3A_415] : memref<2x200x128xi32, #tpu.memory_space<vmem>> -> memref<1x200x128xi32, #tpu.memory_space<vmem>>
        %swap3A_417 = tpu.memref_squeeze %swap3A_416 : memref<1x200x128xi32, #tpu.memory_space<vmem>> -> memref<200x128xi32, #tpu.memory_space<vmem>>
        %swap3A_418 = arith.index_cast %add3A_413 : i32 to index
        %swap3A_419 = arith.constant 16 : index
        %swap3A_420 = tpu.vector_load %swap3A_417[%swap3A_418, %swap3A_419] {strides = array<i32>} : memref<200x128xi32, #tpu.memory_space<vmem>>, vector<16xi32>,
        tpu.vector_store %swap3A_417[%swap3A_418, %swap3A_419], %gather3A_325 {strides = array<i32>} : memref<200x128xi32, #tpu.memory_space<vmem>>, vector<16xi32>,
        %add3A_421 = arith.constant 1 : i32
        %add3A_422 = arith.addi %mul3A_173, %add3A_421 : i32
        %swap3A_423 = arith.constant 0 : i32
        %swap3A_424 = arith.constant 0 : i32
        %swap3A_425 = tpu.memref_slice %arg7[%scan3A_142, %swap3A_423, %swap3A_424] : memref<2x200x128xi32, #tpu.memory_space<vmem>> -> memref<1x200x128xi32, #tpu.memory_space<vmem>>
        %swap3A_426 = tpu.memref_squeeze %swap3A_425 : memref<1x200x128xi32, #tpu.memory_space<vmem>> -> memref<200x128xi32, #tpu.memory_space<vmem>>
        %swap3A_427 = arith.index_cast %add3A_422 : i32 to index
        %swap3A_428 = arith.constant 32 : index
        %swap3A_429 = tpu.vector_load %swap3A_426[%swap3A_427, %swap3A_428] {strides = array<i32>} : memref<200x128xi32, #tpu.memory_space<vmem>>, vector<16xi32>,
        tpu.vector_store %swap3A_426[%swap3A_427, %swap3A_428], %gather3A_326 {strides = array<i32>} : memref<200x128xi32, #tpu.memory_space<vmem>>, vector<16xi32>,
        %add3A_430 = arith.constant 1 : i32
        %add3A_431 = arith.addi %mul3A_173, %add3A_430 : i32
        %swap3A_432 = arith.constant 0 : i32
        %swap3A_433 = arith.constant 0 : i32
        %swap3A_434 = tpu.memref_slice %arg7[%scan3A_142, %swap3A_432, %swap3A_433] : memref<2x200x128xi32, #tpu.memory_space<vmem>> -> memref<1x200x128xi32, #tpu.memory_space<vmem>>
        %swap3A_435 = tpu.memref_squeeze %swap3A_434 : memref<1x200x128xi32, #tpu.memory_space<vmem>> -> memref<200x128xi32, #tpu.memory_space<vmem>>
        %swap3A_436 = arith.index_cast %add3A_431 : i32 to index
        %swap3A_437 = arith.constant 48 : index
        %swap3A_438 = tpu.vector_load %swap3A_435[%swap3A_436, %swap3A_437] {strides = array<i32>} : memref<200x128xi32, #tpu.memory_space<vmem>>, vector<16xi32>,
        tpu.vector_store %swap3A_435[%swap3A_436, %swap3A_437], %gather3A_327 {strides = array<i32>} : memref<200x128xi32, #tpu.memory_space<vmem>>, vector<16xi32>,
        %add3A_439 = arith.constant 1 : i32
        %add3A_440 = arith.addi %mul3A_173, %add3A_439 : i32
        %swap3A_441 = arith.constant 0 : i32
        %swap3A_442 = arith.constant 0 : i32
        %swap3A_443 = tpu.memref_slice %arg7[%scan3A_142, %swap3A_441, %swap3A_442] : memref<2x200x128xi32, #tpu.memory_space<vmem>> -> memref<1x200x128xi32, #tpu.memory_space<vmem>>
        %swap3A_444 = tpu.memref_squeeze %swap3A_443 : memref<1x200x128xi32, #tpu.memory_space<vmem>> -> memref<200x128xi32, #tpu.memory_space<vmem>>
        %swap3A_445 = arith.index_cast %add3A_440 : i32 to index
        %swap3A_446 = arith.constant 64 : index
        %swap3A_447 = tpu.vector_load %swap3A_444[%swap3A_445, %swap3A_446] {strides = array<i32>} : memref<200x128xi32, #tpu.memory_space<vmem>>, vector<16xi32>,
        tpu.vector_store %swap3A_444[%swap3A_445, %swap3A_446], %gather3A_328 {strides = array<i32>} : memref<200x128xi32, #tpu.memory_space<vmem>>, vector<16xi32>,
        %add3A_448 = arith.constant 1 : i32
        %add3A_449 = arith.addi %mul3A_173, %add3A_448 : i32
        %swap3A_450 = arith.constant 0 : i32
        %swap3A_451 = arith.constant 0 : i32
        %swap3A_452 = tpu.memref_slice %arg7[%scan3A_142, %swap3A_450, %swap3A_451] : memref<2x200x128xi32, #tpu.memory_space<vmem>> -> memref<1x200x128xi32, #tpu.memory_space<vmem>>
        %swap3A_453 = tpu.memref_squeeze %swap3A_452 : memref<1x200x128xi32, #tpu.memory_space<vmem>> -> memref<200x128xi32, #tpu.memory_space<vmem>>
        %swap3A_454 = arith.index_cast %add3A_449 : i32 to index
        %swap3A_455 = arith.constant 80 : index
        %swap3A_456 = tpu.vector_load %swap3A_453[%swap3A_454, %swap3A_455] {strides = array<i32>} : memref<200x128xi32, #tpu.memory_space<vmem>>, vector<16xi32>,
        tpu.vector_store %swap3A_453[%swap3A_454, %swap3A_455], %gather3A_329 {strides = array<i32>} : memref<200x128xi32, #tpu.memory_space<vmem>>, vector<16xi32>,
        %add3A_457 = arith.constant 1 : i32
        %add3A_458 = arith.addi %mul3A_173, %add3A_457 : i32
        %swap3A_459 = arith.constant 0 : i32
        %swap3A_460 = arith.constant 0 : i32
        %swap3A_461 = tpu.memref_slice %arg7[%scan3A_142, %swap3A_459, %swap3A_460] : memref<2x200x128xi32, #tpu.memory_space<vmem>> -> memref<1x200x128xi32, #tpu.memory_space<vmem>>
        %swap3A_462 = tpu.memref_squeeze %swap3A_461 : memref<1x200x128xi32, #tpu.memory_space<vmem>> -> memref<200x128xi32, #tpu.memory_space<vmem>>
        %swap3A_463 = arith.index_cast %add3A_458 : i32 to index
        %swap3A_464 = arith.constant 96 : index
        %swap3A_465 = tpu.vector_load %swap3A_462[%swap3A_463, %swap3A_464] {strides = array<i32>} : memref<200x128xi32, #tpu.memory_space<vmem>>, vector<16xi32>,
        tpu.vector_store %swap3A_462[%swap3A_463, %swap3A_464], %gather3A_330 {strides = array<i32>} : memref<200x128xi32, #tpu.memory_space<vmem>>, vector<16xi32>,
        %add3A_466 = arith.constant 1 : i32
        %add3A_467 = arith.addi %mul3A_173, %add3A_466 : i32
        %swap3A_468 = arith.constant 0 : i32
        %swap3A_469 = arith.constant 0 : i32
        %swap3A_470 = tpu.memref_slice %arg7[%scan3A_142, %swap3A_468, %swap3A_469] : memref<2x200x128xi32, #tpu.memory_space<vmem>> -> memref<1x200x128xi32, #tpu.memory_space<vmem>>
        %swap3A_471 = tpu.memref_squeeze %swap3A_470 : memref<1x200x128xi32, #tpu.memory_space<vmem>> -> memref<200x128xi32, #tpu.memory_space<vmem>>
        %swap3A_472 = arith.index_cast %add3A_467 : i32 to index
        %swap3A_473 = arith.constant 112 : index
        %swap3A_474 = tpu.vector_load %swap3A_471[%swap3A_472, %swap3A_473] {strides = array<i32>} : memref<200x128xi32, #tpu.memory_space<vmem>>, vector<16xi32>,
        tpu.vector_store %swap3A_471[%swap3A_472, %swap3A_473], %gather3A_331 {strides = array<i32>} : memref<200x128xi32, #tpu.memory_space<vmem>>, vector<16xi32>,
      }
      %scan3A_147 = arith.constant 100 : i32
      %mul3A_148 = arith.constant 128 : i32
      %mul3A_149 = arith.muli %add3A_70, %mul3A_148 : i32
      %add3A_150 = arith.addi %mul3A_2, %mul3A_149 : i32
      %dma_start3A_151 = arith.constant 1 : i32
      %dma_start3A_152 = arith.constant 0 : i32
      %dma_start3A_153 = arith.constant 0 : i32
      %dma_start3A_154 = tpu.memref_slice %arg7[%dma_start3A_151, %dma_start3A_152, %dma_start3A_153] : memref<2x200x128xi32, #tpu.memory_space<vmem>> -> memref<1x200x128xi32, #tpu.memory_space<vmem>>
      %dma_start3A_155 = tpu.memref_squeeze %dma_start3A_154 : memref<1x200x128xi32, #tpu.memory_space<vmem>> -> memref<200x128xi32, #tpu.memory_space<vmem>>
      %dma_start3A_156 = arith.constant 0 : i32
      %dma_start3A_157 = tpu.memref_slice %arg4[%dma_start3A_156, %add3A_150] : memref<200x16384xi32, #tpu.memory_space<hbm>> -> memref<200x128xi32, #tpu.memory_space<hbm>>
      %dma_start3A_158 = arith.constant 0 : i32
      %dma_start3A_159 = tpu.memref_slice %arg4[%dma_start3A_158, %add3A_150] : memref<200x16384xi32, #tpu.memory_space<hbm>> -> memref<200x128xi32, #tpu.memory_space<hbm>>
      %dma_start3A_160 = arith.constant 0 : i32
      %dma_start3A_161 = arith.constant 0 : i32
      %dma_start3A_162 = tpu.memref_slice %arg7[%dma_start3A_151, %dma_start3A_160, %dma_start3A_161] : memref<2x200x128xi32, #tpu.memory_space<vmem>> -> memref<1x200x128xi32, #tpu.memory_space<vmem>>
      %dma_start3A_163 = tpu.memref_squeeze %dma_start3A_162 : memref<1x200x128xi32, #tpu.memory_space<vmem>> -> memref<200x128xi32, #tpu.memory_space<vmem>>
      tpu.enqueue_dma source(%dma_start3A_163 : memref<200x128xi32, #tpu.memory_space<vmem>>) target(%dma_start3A_159 : memref<200x128xi32, #tpu.memory_space<hbm>>) target_semaphore(%arg11 : memref<!tpu.dma_semaphore, #tpu.memory_space<semaphore_mem>>)
      %add3A_164 = arith.constant 2 : i32
      %add3A_165 = arith.addi %add3A_70, %add3A_164 : i32
      %lt3A_166 = arith.constant 4 : i32
      %lt3A_167 = arith.cmpi slt, %add3A_165, %lt3A_166 : i32
      %convert_element_type3A_168 = arith.extui %lt3A_167 : i1 to i32
      %cond3A_169 = arith.constant 0 : i32
      %cond3A_170 = arith.cmpi ne, %convert_element_type3A_168, %cond3A_169 : i32
      scf.if %cond3A_170 {
        %add3A_171 = arith.constant 2 : i32
        %add3A_172 = arith.addi %add3A_70, %add3A_171 : i32
        %mul3A_173 = arith.constant 128 : i32
        %mul3A_174 = arith.muli %add3A_172, %mul3A_173 : i32
        %add3A_175 = arith.addi %mul3A_2, %mul3A_174 : i32
        %dma_start3A_176 = arith.constant 1 : i32
        %dma_start3A_177 = arith.constant 0 : i32
        %dma_start3A_178 = arith.constant 0 : i32
        %dma_start3A_179 = tpu.memref_slice %arg6[%dma_start3A_176, %dma_start3A_177, %dma_start3A_178] : memref<2x200x128xi32, #tpu.memory_space<vmem>> -> memref<1x200x128xi32, #tpu.memory_space<vmem>>
        %dma_start3A_180 = tpu.memref_squeeze %dma_start3A_179 : memref<1x200x128xi32, #tpu.memory_space<vmem>> -> memref<200x128xi32, #tpu.memory_space<vmem>>
        %dma_start3A_181 = arith.constant 0 : i32
        %dma_start3A_182 = tpu.memref_slice %arg2[%dma_start3A_181, %add3A_175] : memref<200x16384xi32, #tpu.memory_space<hbm>> -> memref<200x128xi32, #tpu.memory_space<hbm>>
        %dma_start3A_183 = arith.constant 0 : i32
        %dma_start3A_184 = arith.constant 0 : i32
        %dma_start3A_185 = tpu.memref_slice %arg6[%dma_start3A_176, %dma_start3A_183, %dma_start3A_184] : memref<2x200x128xi32, #tpu.memory_space<vmem>> -> memref<1x200x128xi32, #tpu.memory_space<vmem>>
        %dma_start3A_186 = tpu.memref_squeeze %dma_start3A_185 : memref<1x200x128xi32, #tpu.memory_space<vmem>> -> memref<200x128xi32, #tpu.memory_space<vmem>>
        %dma_start3A_187 = arith.constant 0 : i32
        %dma_start3A_188 = tpu.memref_slice %arg2[%dma_start3A_187, %add3A_175] : memref<200x16384xi32, #tpu.memory_space<hbm>> -> memref<200x128xi32, #tpu.memory_space<hbm>>
        tpu.enqueue_dma source(%dma_start3A_188 : memref<200x128xi32, #tpu.memory_space<hbm>>) target(%dma_start3A_186 : memref<200x128xi32, #tpu.memory_space<vmem>>) target_semaphore(%arg9 : memref<!tpu.dma_semaphore, #tpu.memory_space<semaphore_mem>>)
      } else {
      }
    }
    %scan3A_36 = arith.constant 2 : i32
    %add3A_37 = arith.constant 256 : i32
    %add3A_38 = arith.addi %mul3A_2, %add3A_37 : i32
    %dma_wait3A = arith.constant 0 : i32
    %dma_wait3A_39 = arith.constant 0 : i32
    %dma_wait3A_40 = arith.constant 0 : i32
    %dma_wait3A_41 = tpu.memref_slice %arg7[%dma_wait3A, %dma_wait3A_39, %dma_wait3A_40] : memref<2x200x128xi32, #tpu.memory_space<vmem>> -> memref<1x200x128xi32, #tpu.memory_space<vmem>>
    %dma_wait3A_42 = tpu.memref_squeeze %dma_wait3A_41 : memref<1x200x128xi32, #tpu.memory_space<vmem>> -> memref<200x128xi32, #tpu.memory_space<vmem>>
    %dma_wait3A_43 = arith.constant 0 : i32
    %dma_wait3A_44 = tpu.memref_slice %arg4[%dma_wait3A_43, %add3A_38] : memref<200x16384xi32, #tpu.memory_space<hbm>> -> memref<200x128xi32, #tpu.memory_space<hbm>>
    %dma_wait3A_45 = arith.constant 0 : i32
    %dma_wait3A_46 = tpu.memref_slice %arg4[%dma_wait3A_45, %add3A_38] : memref<200x16384xi32, #tpu.memory_space<hbm>> -> memref<200x128xi32, #tpu.memory_space<hbm>>
    %dma_wait3A_47 = arith.constant 0 : i32
    %dma_wait3A_48 = arith.constant 0 : i32
    %dma_wait3A_49 = tpu.memref_slice %arg7[%dma_wait3A, %dma_wait3A_47, %dma_wait3A_48] : memref<2x200x128xi32, #tpu.memory_space<vmem>> -> memref<1x200x128xi32, #tpu.memory_space<vmem>>
    %dma_wait3A_50 = tpu.memref_squeeze %dma_wait3A_49 : memref<1x200x128xi32, #tpu.memory_space<vmem>> -> memref<200x128xi32, #tpu.memory_space<vmem>>
    tpu.wait_dma2 semaphore(%arg10 : memref<!tpu.dma_semaphore, #tpu.memory_space<semaphore_mem>>) src(%dma_wait3A_50 : memref<200x128xi32, #tpu.memory_space<vmem>>) dst(%dma_wait3A_46 : memref<200x128xi32, #tpu.memory_space<hbm>>)
    %add3A_51 = arith.constant 384 : i32
    %add3A_52 = arith.addi %mul3A_2, %add3A_51 : i32
    %dma_wait3A_53 = arith.constant 1 : i32
    %dma_wait3A_54 = arith.constant 0 : i32
    %dma_wait3A_55 = arith.constant 0 : i32
    %dma_wait3A_56 = tpu.memref_slice %arg7[%dma_wait3A_53, %dma_wait3A_54, %dma_wait3A_55] : memref<2x200x128xi32, #tpu.memory_space<vmem>> -> memref<1x200x128xi32, #tpu.memory_space<vmem>>
    %dma_wait3A_57 = tpu.memref_squeeze %dma_wait3A_56 : memref<1x200x128xi32, #tpu.memory_space<vmem>> -> memref<200x128xi32, #tpu.memory_space<vmem>>
    %dma_wait3A_58 = arith.constant 0 : i32
    %dma_wait3A_59 = tpu.memref_slice %arg4[%dma_wait3A_58, %add3A_52] : memref<200x16384xi32, #tpu.memory_space<hbm>> -> memref<200x128xi32, #tpu.memory_space<hbm>>
    %dma_wait3A_60 = arith.constant 0 : i32
    %dma_wait3A_61 = tpu.memref_slice %arg4[%dma_wait3A_60, %add3A_52] : memref<200x16384xi32, #tpu.memory_space<hbm>> -> memref<200x128xi32, #tpu.memory_space<hbm>>
    %dma_wait3A_62 = arith.constant 0 : i32
    %dma_wait3A_63 = arith.constant 0 : i32
    %dma_wait3A_64 = tpu.memref_slice %arg7[%dma_wait3A_53, %dma_wait3A_62, %dma_wait3A_63] : memref<2x200x128xi32, #tpu.memory_space<vmem>> -> memref<1x200x128xi32, #tpu.memory_space<vmem>>
    %dma_wait3A_65 = tpu.memref_squeeze %dma_wait3A_64 : memref<1x200x128xi32, #tpu.memory_space<vmem>> -> memref<200x128xi32, #tpu.memory_space<vmem>>
    tpu.wait_dma2 semaphore(%arg11 : memref<!tpu.dma_semaphore, #tpu.memory_space<semaphore_mem>>) src(%dma_wait3A_65 : memref<200x128xi32, #tpu.memory_space<vmem>>) dst(%dma_wait3A_61 : memref<200x128xi32, #tpu.memory_space<hbm>>)
    return
  }
}

module attributes {stable_mosaic.version = 14 : i64} {
  func.func @body(%arg0: i32, %arg1: memref<40x16384xf32, #tpu.memory_space<vmem>>, %arg2: memref<40x16384xf32, #tpu.memory_space<vmem>>) attributes {dimension_semantics = [#tpu.dimension_semantics<arbitrary>], iteration_bounds = array<i64: 15>, scalar_prefetch = 0 : i64, scratch_operands = 0 : i64, tpu.core_type = #tpu.core_type<tc>, window_params = [{transform_indices = @transform_0, window_bounds = array<i64: 40, 16384>}, {transform_indices = @transform_1, window_bounds = array<i64: 40, 16384>}]} {
    %get3A = arith.constant 0 : index
    %get3A_0 = arith.constant 0 : index
    %get3A_1 = vector.load %arg1[%get3A, %get3A_0] : memref<40x16384xf32, #tpu.memory_space<vmem>>, vector<40x16384xf32>
    %swap3A = arith.constant 0 : index
    %swap3A_2 = arith.constant 0 : index
    %swap3A_3 = vector.load %arg2[%swap3A, %swap3A_2] : memref<40x16384xf32, #tpu.memory_space<vmem>>, vector<40x16384xf32>
    tpu.vector_store %arg2[%swap3A, %swap3A_2], %get3A_1 {strides = array<i32>} : memref<40x16384xf32, #tpu.memory_space<vmem>>, vector<40x16384xf32>,
    return
  }
  func.func @transform_0(%arg0: i32) -> (i32, i32) {
    %c0_i32 = arith.constant 0 : i32
    %c0_i32_0 = arith.constant 0 : i32
    return %arg0, %c0_i32 : i32, i32
  }
  func.func @transform_1(%arg0: i32) -> (i32, i32) {
    %c0_i32 = arith.constant 0 : i32
    %c0_i32_0 = arith.constant 0 : i32
    return %arg0, %c0_i32 : i32, i32
  }
}

</mosaic_0001>

<sc_bundles>
// kernel: kernel.4.cloned.1.call-start
scs
__scs_entry_jumppad:
0x0: {  	(pc) =	sbr.rel $0x88, $3  }
0x1: {  	(tag) =	ssettag $0x0;
	lr =	simm.s32 $0x1  }
0x2: {  	[smem:$0x3F9E] =	sst lr;
	_ =	strace $0xD0000000  }
0x3: {  	_ = 	snop  }
0x4: {  	_ = 	snop  }
0x5: {  	_ = 	snop  }
0x6: {  	_ = 	snop  }
0x7: {  	_ = 	snop  }
__scs_overlays_trampoline_lowered:
0x8: {  	[smem:$0x3FAD] =	sst s0  }
0x9: {  	[smem:$0x3FAE] =	sst s1  }
0xa: {  	[smem:$0x3FAF] =	sst s2  }
0xb: {  	[smem:$0x3FB0] =	sst s3  }
0xc: {  	[smem:$0x3FB1] =	sst s4  }
0xd: {  	[smem:$0x3FB2] =	sst s5  }
0xe: {  	[smem:$0x3FB3] =	sst s6  }
0xf: {  	[smem:$0x3FB4] =	sst s7  }
0x10: {  	[smem:$0x3FB5] =	sst s8  }
0x11: {  	[smem:$0x3FB6] =	sst s9;
	s0 =	simm.s32 @!p0 $0x0  }
0x12: {  	s1 =	sld [smem:$0x3F9C];
	s0 =	simm.s32 @p0 $0x1  }
0x13: {  	[smem:$0x3FB7] =	sst s0;
	s0 =	simm.s32 @!p1 $0x0  }
0x14: {  	s2 =	sld [smem:$0x3F9B];
	s0 =	simm.s32 @p1 $0x1  }
0x15: {  	[smem:$0x3FB8] =	sst s0;
	s0 =	simm.s32 @!p2 $0x0  }
0x16: {  	s3 =	sld [smem:$0x3FDB];
	s0 =	simm.s32 @p2 $0x1  }
0x17: {  	s4 =	simm.s32 $0x1BF5;
	[smem:$0x3FBA] =	sst s0  }
0x18: {  	s0 =	sld [smem:$0x3F9D];
	_ =	swait.ge [sflag:s4], $0x0  }
0x19: {  	s7 =	sld [smem:$0x3F9E]  }
0x1a: {  	s8 =	sadd.s32 $0xFFFFE003, lr  }
0x1b: {  	s9 =	sadd.s32 $0xFFFFFEF7, lr;
	s5 =	simm.s32 $0xFFFFFFFF;
	p2 =	slt.u32 s8, $0xFFFFF086  }
0x1c: {  	p1 =	slt.u32 s9, $0xF7A;
	s5 =	simm.s32 @!p2 $0x0  }
0x1d: {  	s5 =	simm.s32 @p1 $0x1;
	p0 =	seq.s32 s7, s2  }
0x1e: {  	s7 =	smul.u32 @!p0 $0xF7A, s2;
	p2 =	seq.s32 @!p0 s5, $0x0  }
0x1f: {  	s9 =	smul.u32 $0xF7A, s1;
	s8 =	simm.s32 @!p0 $0x1BF5;
	p2 =	por !p2, p0  }
0x20: {  	[sflag:s8] =	ssyncset.s32 @!p0 $0xFFFFF086;
	s6 =	sadd.s32 @!p0 s3, s7;
	s7 =	simm.s32 @!p0 $0x108  }
0x21: {  	s3 =	sadd.s32 s3, s9;
	s6 =	sadd.s32 @!p0 $0x88, s6;
	s7 =	simm.s32 @p2 $0x1082  }
0x22: {  	[simem:s7], [sflag:s8] =	dma.local @!p0 [hbm:s6], $0xF7A  }
0x23: {  	s9 =	sor.u32 $0xD0000000, s2;
	s6 =	simm.s32 $0x108;
	_ =	swait.ge @!p0 [sflag:s8], $0x0  }
0x24: {  	s3 =	sadd.s32 $0x88, s3;
	s6 =	simm.s32 @!p1 $0x1082;
	[sflag:s4] =	ssyncset.s32 $0xFFFFF086  }
0x25: {  	[simem:s6], [sflag:s4] =	dma.local [hbm:s3], $0xF7A  }
0x26: {  	[smem:$0x3F9E] =	sst s1;
	(tag) =	ssettag s2;
	_ =	strace s9  }
0x27: {  	s1 =	sld [smem:$0x3FAE]  }
0x28: {  	s2 =	sld [smem:$0x3FAF]  }
0x29: {  	s4 =	sld [smem:$0x3FB1]  }
0x2a: {  	p0 =	seq.s32 s5, $0x0;
	s5 =	sld [smem:$0x3FB2]  }
0x2b: {  	s6 =	sld [smem:$0x3FB3]  }
0x2c: {  	s7 =	sld [smem:$0x3FB4]  }
0x2d: {  	s3 =	simm.s32 $0x108;
	s8 =	sld [smem:$0x3FB5]  }
0x2e: {  	s3 =	simm.s32 @!p0 $0x1082;
	s9 =	sld [smem:$0x3FB6]  }
0x2f: {  	lr =	sadd.s32 s0, s3;
	s0 =	sld [smem:$0x3FAD]  }
0x30: {  	s3 =	sld [smem:$0x3FB0]  }
0x31: {  	[smem:$0x3FB9] =	sst s10  }
0x32: {  	s10 =	sld [smem:$0x3FB7];
	_ =	sdelay $0x3  }
0x33: {  	p0 =	seq.s32 s10, $0x1;
	s10 =	sld [smem:$0x3FB9];
	_ =	sdelay $0x3  }
0x34: {  	[smem:$0x3FB9] =	sst s10  }
0x35: {  	s10 =	sld [smem:$0x3FB8];
	_ =	sdelay $0x3  }
0x36: {  	p1 =	seq.s32 s10, $0x1;
	s10 =	sld [smem:$0x3FB9];
	_ =	sdelay $0x3  }
0x37: {  	[smem:$0x3FB9] =	sst s10  }
0x38: {  	s10 =	sld [smem:$0x3FBA]  }
0x39: {  	_ = 	snop;
	(pc) =	sbr.ind lr, $3  }
0x3a: {  	_ = 	snop  }
0x3b: {  	_ = 	snop  }
0x3c: {  	p2 =	seq.s32 s10, $0x1;
	s10 =	sld [smem:$0x3FB9]  }
0x3d: {  	_ =	shalt  }
0x3e: {  	_ =	shalt  }
0x3f: {  	_ =	shalt  }
0x40: {  	_ =	shalt  }
0x41: {  	_ =	shalt  }
0x42: {  	_ =	shalt  }
0x43: {  	_ =	shalt  }
0x44: {  	_ =	shalt  }
0x45: {  	_ =	shalt  }
0x46: {  	_ =	shalt  }
0x47: {  	_ =	shalt  }
0x48: {  	_ =	shalt  }
0x49: {  	_ =	shalt  }
0x4a: {  	_ =	shalt  }
0x4b: {  	_ =	shalt  }
0x4c: {  	_ =	shalt  }
0x4d: {  	_ =	shalt  }
0x4e: {  	_ =	shalt  }
0x4f: {  	_ =	shalt  }
0x50: {  	_ =	shalt  }
0x51: {  	_ =	shalt  }
0x52: {  	_ =	shalt  }
0x53: {  	_ =	shalt  }
0x54: {  	_ =	shalt  }
0x55: {  	_ =	shalt  }
0x56: {  	_ =	shalt  }
0x57: {  	_ =	shalt  }
0x58: {  	_ =	shalt  }
0x59: {  	_ =	shalt  }
0x5a: {  	_ =	shalt  }
0x5b: {  	_ =	shalt  }
0x5c: {  	_ =	shalt  }
0x5d: {  	_ =	shalt  }
0x5e: {  	_ =	shalt  }
0x5f: {  	_ =	shalt  }
0x60: {  	_ =	shalt  }
0x61: {  	_ =	shalt  }
0x62: {  	_ =	shalt  }
0x63: {  	_ =	shalt  }
0x64: {  	_ =	shalt  }
0x65: {  	_ =	shalt  }
0x66: {  	_ =	shalt  }
0x67: {  	_ =	shalt  }
0x68: {  	_ =	shalt  }
0x69: {  	_ =	shalt  }
0x6a: {  	_ =	shalt  }
0x6b: {  	_ =	shalt  }
0x6c: {  	_ =	shalt  }
0x6d: {  	_ =	shalt  }
0x6e: {  	_ =	shalt  }
0x6f: {  	_ =	shalt  }
0x70: {  	_ =	shalt  }
0x71: {  	_ =	shalt  }
0x72: {  	_ =	shalt  }
0x73: {  	_ =	shalt  }
0x74: {  	_ =	shalt  }
0x75: {  	_ =	shalt  }
0x76: {  	_ =	shalt  }
0x77: {  	_ =	shalt  }
0x78: {  	_ =	shalt  }
0x79: {  	_ =	shalt  }
0x7a: {  	_ =	shalt  }
0x7b: {  	_ =	shalt  }
0x7c: {  	_ =	shalt  }
0x7d: {  	_ =	shalt  }
0x7e: {  	_ =	shalt  }
0x7f: {  	_ =	shalt  }
0x80: {  	_ =	shalt  }
0x81: {  	_ =	shalt  }
0x82: {  	_ =	shalt  }
0x83: {  	_ =	shalt  }
0x84: {  	_ =	shalt  }
0x85: {  	_ =	shalt  }
0x86: {  	_ =	shalt  }
0x87: {  	_ =	shalt  }
.Lfunc_end0:
.L_simem_size_0:
called_computation_lowered:
.L_overlay_start_0:
0x88: {  	s2 =	sld [smem:$0x3FD9]  }
0x89: {  	s3 =	sld [smem:$0x3FFE];
	_ =	sdelay $0x1  }
0x8a: {  	s1 =	srdreg.scid  }
0x8b: {  	s0 =	sand.u32 $0x1, s1  }
0x8c: {  	s15 =	sshll.u32 s0, $0xA;
	s2 =	sadd.s32 s3, s2  }
0x8d: {  	s2 =	sadd.s32 s2, s15  }
0x8e: {  	[smem:$0x3FC5] =	sst s2  }
0x8f: {  	_ = 	snop  }
0x90: {  	s2 =	sld [smem:$0x3FD0];
	_ =	sdelay $0x1  }
0x91: {  	s16 =	sld [smem:$0x3FC9]  }
0x92: {  	s5 =	simm.s32 $0xA;
	s6 =	simm.s32 $0x10;
	s4 =	sld [smem:$0x3FC7]  }
0x93: {  	[smem:s6], [sflag:s5] =	dma.local [hbm:s2], $0x1  }
0x94: {  	_ =	swait.eq [sflag:s5], $0x1  }
0x95: {  	[sflag:s5] =	ssyncset.done $0x0  }
0x96: {  	[sflag:s5] =	ssyncadd.s32 $0xFFFFFFFF  }
0x97: {  	s17 =	sld [smem:$0x10];
	(tm) =	ssettm $0x1  }
0x98: {  	s18 =	sld [smem:$0x3FFB];
	_ =	sdelay $0x3  }
0x99: {  	_ =	strace s18  }
0x9a: {  	s5 =	sld [smem:$0x3FFC];
	_ =	sdelay $0x3  }
0x9b: {  	_ =	strace s5  }
0x9c: {  	s5 =	sld [smem:$0x3FFD];
	_ =	sdelay $0x3  }
0x9d: {  	_ =	strace s5  }
0x9e: {  	_ =	strace $0x8FFFFFFF  }
0x9f: {  	s19 =	sld [smem:$0x3FDB];
	_ =	sdelay $0x1  }
0xa0: {  	s20 =	simm.s32 $_scs_section_size  }
0xa1: {  	s7 =	simm.s32 $_size__tile_overlayer_lowered;
	s8 =	simm.s32 $_tile_overlayer_lowered  }
0xa2: {  	s23 =	simm.s32 $0x1BFF;
	s22 =	sshll.u32 s8, $0x1;
	s5 =	sadd.s32 s20, s19  }
0xa3: {  	s9 =	simm.s32 $0x0;
	s21 =	sshll.u32 s7, $0x1;
	s7 =	sadd.s32 s22, s5  }
0xa4: {  	[timem:s9], [sflag:s23] =	dma.local [hbm:s7], s21  }
0xa5: {  	_ =	swait.ge [sflag:s23], s21  }
0xa6: {  	s6 =	ssub.s32 $0x0, s21;
	[sflag:s23] =	ssyncset.done $0x0  }
0xa7: {  	[sflag:s23] =	ssyncadd.s32 s6;
	_ =	sdelay $0x1  }
0xa8: {  	s24 =	simm.s32 $0x1B8B  }
0xa9: {  	_ =	swait.ge [sflag:s24], $0x1  }
0xaa: {  	[sflag:s24] =	ssyncset.done $0x0  }
0xab: {  	s25 =	simm.s32 $0x1B8E;
	[sflag:s24] =	ssyncadd.s32 $0xFFFFFFFF  }
0xac: {  	s26 =	simm.s32 $execute0_lowered;
	[smem:$0x3FD2] =	sst s25  }
0xad: {  	s6 =	sshll.u32 s26, $0x1;
	_ =	strace $0x80000046;
	[dreg:$0x1] =	wrdreg $0xFFFFFFFF  }
0xae: {  	s28 =	simm.s32 $_size_execute0_lowered;
	s5 =	sadd.s32 s5, s6;
	[dreg:$0x0] =	wrdreg $0x0  }
0xaf: {  	s6 =	sshll.u32 s28, $0x1;
	[dreg:$0x2] =	wrdreg s5  }
0xb0: {  	[dreg:$0x3] =	wrdreg s6  }
0xb1: {  	[dreg:$0x4] =	wrdreg $0xC0  }
0xb2: {  	_ =	task [dreg:s9], $0x5FFFF  }
0xb3: {  	[dreg:$0x1] =	wrdreg $0xFFFFFFFF  }
0xb4: {  	[dreg:$0x0] =	wrdreg $0x60  }
0xb5: {  	[dreg:$0x2] =	wrdreg s16  }
0xb6: {  	[dreg:$0x3] =	wrdreg s4  }
0xb7: {  	[dreg:$0x4] =	wrdreg s17  }
0xb8: {  	[dreg:$0x5] =	wrdreg $0x9  }
0xb9: {  	_ =	task.clear_ibuf [dreg:s9], $0x6FFFF;
	_ =	strace $0x90000046  }
0xba: {  	s29 =	simm.s32 $0x9;
	_ =	strace $0x80000048  }
0xbb: {  	_ =	swait.ge [sflag:s29], $0x1  }
0xbc: {  	[sflag:s29] =	ssyncadd.s32 $0xFFFFFFFF  }
0xbd: {  	_ =	strace $0x90000048  }
0xbe: {  	_ =	sfence  }
0xbf: {  	s30 =	sld [smem:$0x0];
	_ =	sdelay $0x2  }
0xc0: {  	s31 =	sshll.u32 s1, $0xD;
	s1 =	sshrl.u32 s1, $0x2  }
0xc1: {  	s3 =	sand.u32 $0x4000, s31;
	s1 =	sadd.s32 s1, s30  }
0xc2: {  	s0 =	sor.u32 s3, s0;
	s1 =	sshll.u32 s1, $0x11  }
0xc3: {  	s0 =	sor.u32 s1, s0  }
0xc4: {  	s0 =	sadd.s32 $0x8F2B, s0  }
0xc5: {  	[sflag:s0] =	ssyncadd.remote.s32 $0x1  }
0xc6: {  	_ =	sfence.sel $0xFFFF  }
0xc7: {  	[dreg:$0x0] =	wrdreg $0xFFFFFFFF;
	(pc) =	sbr.abs _section_cstart, $3  }
0xc8: {  	[dreg:$0x1] =	wrdreg $0xFFFFFFFF  }
0xc9: {  	_ =	task.clear_ibuf [dreg:s9], $0x2FFFF;
	_ =	strace $0x9FFFFFFF  }
0xca: {  	(tm) =	ssettm $0x7FFFFFFF  }
0xcb: {  	_ =	shalt  }
tec
execute0_lowered:
.L_overlay_start_1:
0x0: {  	(tag) =	ssettag $0x1  }
0x1: {  	s9 =	rddreg [dreg:$0x0]  }
0x2: {  	s1 =	rddreg [dreg:$0x1]  }
0x3: {  	s7 =	rddreg [dreg:$0x2];
	s2 =	srdreg.scid  }
0x4: {  	s0 =	rddreg [dreg:$0x3];
	s3 =	simm.s32 $0x0;
	s11 =	simm.s32 $0x5  }
0x5: {  	s12 =	simm.s32 $0x400;
	s13 =	simm.s32 $0x20000;
	s14 =	simm.s32 $0x80  }
0x6: {  	s15 =	simm.s32 $0x6480;
	s16 =	simm.s32 $0x1;
	s17 =	simm.s32 $0xC880  }
0x7: {  	s18 =	simm.s32 $0x2;
	s19 =	simm.s32 $0x12C80;
	s20 =	simm.s32 $0x3  }
0x8: {  	s21 =	simm.s32 $0x4;
	s22 =	simm.s32 $0x0;
	s4 =	sand.u32 $0x1, s2  }
0x9: {  	[smem:$0x7FF] =	sst s3;
	s2 =	stileid.u32;
	s5 =	ssub.s32 $0x2, s4  }
0xa: {  	s8 =	sshll.u32 s2, $0xA;
	s4 =	sshll.u32 s4, $0x9;
	s6 =	sshrl.u32 s5, $0x1  }
0xb: {  	_ =	strace $0x80000047;
	s4 =	sor.u32 s4, s8;
	s10 =	ssub.s32 s5, s6  }
0xc: {  	s5 =	sadd.s32 s9, s4;
	s6 =	sadd.s32 $0x80, s9;
	s7 =	sadd.s32 s7, s4  }
0xd: {  	s9 =	sadd.s32 $0x180, s9;
	s8 =	sadd.s32 $0x100, s5;
	s10 =	smax.u32 s10, $0x1  }
.LBB2_1:
0xe: {  	[tilespmem:s3], [sflag:$0x5] =	stream.linear.gather [hbm4b:s1+s3], $0x80, $0x38;
	[tilespmem:$0x19080] =	vst v63  }
0xf: {  	_ =	swait.ge [sflag:s11], $0x80  }
0x10: {  	p2 =	por $0x1, $0x1;
	p1 =	por $0x0, $0x0;
	[sflag:s11] =	ssyncset.done $0x0  }
0x11: {  	s24 =	smov.u32 s6;
	s23 =	simm.s32 $0x0;
	[sflag:s11] =	ssyncadd.s32 $0xFFFFFF80  }
0x12: {  	[tilespmem:s14], [sflag:$0x1] =	stream.strided.gather [hbm4b:s5+s12], $0x6400, s13, s12, $0x38;
	[tilespmem:$0x19080] =	vst v63  }
.LBB2_2:
0x13: {  	s24 =	sadd.s32 s4, s24  }
0x14: {  	[tilespmem:s15], [sflag:$0x2] =	stream.strided.gather [hbm4b:s24+s12], $0x6400, s13, s12, $0x38;
	[tilespmem:$0x19080] =	vst v63  }
0x15: {  	_ =	swait.ge [sflag:s16], $0x6400  }
0x16: {  	[sflag:s16] =	ssyncset.done $0x0  }
0x17: {  	s24 =	simm.s32 @p1 $0x3;
	[sflag:s16] =	ssyncadd.s32 $0xFFFF9C00  }
0x18: {  	_ =	swait.ge @p1 [sflag:s24], $0x6400  }
0x19: {  	[sflag:s24] =	ssyncset.done @p1 $0x0  }
0x1a: {  	[sflag:s24] =	ssyncadd.s32 @p1 $0xFFFF9C00;
	s24 =	simm.s32 $0xF0  }
0x1b: {  	v14 =	vld [tilespmem:s24+$0xFFFFFF90]  }
0x1c: {  	v0 =	vld [tilespmem:s24+$0xFFFFFFA0]  }
0x1d: {  	v1 =	vld [tilespmem:s24+$0xFFFFFFB0]  }
0x1e: {  	v2 =	vld [tilespmem:s24+$0xFFFFFFC0]  }
0x1f: {  	v3 =	vld [tilespmem:s24+$0xFFFFFFD0]  }
0x20: {  	v4 =	vld [tilespmem:s24+$0xFFFFFFE0]  }
0x21: {  	v5 =	vld [tilespmem:s24+$0xFFFFFFF0]  }
0x22: {  	v7 =	vld [tilespmem:s24+$0x0]  }
0x23: {  	v9 =	vld [tilespmem:s24+$0x10]  }
0x24: {  	v6 =	vld [tilespmem:s24+$0x20]  }
0x25: {  	v8 =	vld [tilespmem:s24+$0x30]  }
0x26: {  	v10 =	vld [tilespmem:s24+$0x40]  }
0x27: {  	v11 =	vld [tilespmem:s24+$0x50]  }
0x28: {  	v12 =	vld [tilespmem:s24+$0x60]  }
0x29: {  	v13 =	vld [tilespmem:s24+$0x70]  }
0x2a: {  	v15 =	vld [tilespmem:s24+$0x80]  }
0x2b: {  	p0 =	por p2, p2;
	s25 =	simm.s32 $0x7C0;
	v14 =	vld.idx.msk [tilespmem:v14+s3+$0x0], $0xffff  }
.LBB2_3:
0x2c: {  	p2 =	sne.s32 s25, $0x18FC0;
	v16 =	vld.idx.msk [tilespmem:v0+s3+$0x0], $0xffff  }
0x2d: {  	v17 =	vld.idx.msk [tilespmem:v1+s3+$0x0], $0xffff  }
0x2e: {  	v18 =	vld.idx.msk [tilespmem:v2+s3+$0x0], $0xffff  }
0x2f: {  	v19 =	vld.idx.msk [tilespmem:v3+s3+$0x0], $0xffff  }
0x30: {  	v20 =	vld.idx.msk [tilespmem:v4+s3+$0x0], $0xffff  }
0x31: {  	v21 =	vld.idx.msk [tilespmem:v5+s3+$0x0], $0xffff  }
0x32: {  	v22 =	vld.idx.msk [tilespmem:v7+s3+$0x0], $0xffff  }
0x33: {  	v23 =	vld.idx.msk [tilespmem:v9+s3+$0x0], $0xffff  }
0x34: {  	v0 =	vld.idx.msk [tilespmem:v15+s3+$0x0], $0xffff  }
0x35: {  	v15 =	vld.idx.msk [tilespmem:v6+s3+$0x0], $0xffff  }
0x36: {  	v24 =	vld.idx.msk [tilespmem:v8+s3+$0x0], $0xffff  }
0x37: {  	v25 =	vld.idx.msk [tilespmem:v10+s3+$0x0], $0xffff  }
0x38: {  	v26 =	vld.idx.msk [tilespmem:v11+s3+$0x0], $0xffff  }
0x39: {  	v27 =	vld.idx.msk [tilespmem:v12+s3+$0x0], $0xffff  }
0x3a: {  	s26 =	sshra.s32 s25, $0x2;
	v28 =	vld.idx.msk [tilespmem:v13+s3+$0x0], $0xffff;
	[tilespmem:s24+$0xC880] =	vst v0  }
0x3b: {  	v29 =	vld [tilespmem:s26+$0xFFFFFF90];
	[tilespmem:s24+$0xC790] =	vst v14  }
0x3c: {  	v0 =	vld [tilespmem:s26+$0xFFFFFFA0];
	[tilespmem:s24+$0xC7A0] =	vst v16  }
0x3d: {  	v1 =	vld [tilespmem:s26+$0xFFFFFFB0];
	[tilespmem:s24+$0xC7B0] =	vst v17  }
0x3e: {  	v2 =	vld [tilespmem:s26+$0xFFFFFFC0];
	[tilespmem:s24+$0xC7C0] =	vst v18  }
0x3f: {  	v3 =	vld [tilespmem:s26+$0xFFFFFFD0];
	[tilespmem:s24+$0xC7D0] =	vst v19  }
0x40: {  	v4 =	vld [tilespmem:s26+$0xFFFFFFE0];
	[tilespmem:s24+$0xC7E0] =	vst v20  }
0x41: {  	v5 =	vld [tilespmem:s26+$0xFFFFFFF0];
	[tilespmem:s24+$0xC7F0] =	vst v21  }
0x42: {  	v7 =	vld [tilespmem:s26+$0x0];
	[tilespmem:s24+$0xC800] =	vst v22  }
0x43: {  	v9 =	vld [tilespmem:s26+$0x10];
	[tilespmem:s24+$0xC810] =	vst v23  }
0x44: {  	v6 =	vld [tilespmem:s26+$0x20];
	[tilespmem:s24+$0xC820] =	vst v15  }
0x45: {  	v8 =	vld [tilespmem:s26+$0x30];
	[tilespmem:s24+$0xC830] =	vst v24  }
0x46: {  	v10 =	vld [tilespmem:s26+$0x40];
	[tilespmem:s24+$0xC840] =	vst v25  }
.Ltmp0:
0x47: {  	v11 =	vld [tilespmem:s26+$0x50];
	[tilespmem:s24+$0xC850] =	vst v26;
	(pc) =	sbr.rel @p2 .LBB2_3-.Ltmp0, $4  }
0x48: {  	v12 =	vld [tilespmem:s26+$0x60];
	[tilespmem:s24+$0xC860] =	vst v27  }
0x49: {  	v13 =	vld [tilespmem:s26+$0x70];
	[tilespmem:s24+$0xC870] =	vst v28;
	s24 =	smov.u32 s26  }
0x4a: {  	v15 =	vld [tilespmem:s24+$0x80]  }
0x4b: {  	s25 =	sadd.s32 $0x400, s25;
	v14 =	vld.idx.msk [tilespmem:v29+s3+$0x0], $0xffff  }
0x4c: {  	_ =	sdelay $0x3  }
0x4d: {  	v0 =	vld.idx.msk [tilespmem:v0+s3+$0x0], $0xffff  }
0x4e: {  	v1 =	vld.idx.msk [tilespmem:v1+s3+$0x0], $0xffff  }
0x4f: {  	v2 =	vld.idx.msk [tilespmem:v2+s3+$0x0], $0xffff  }
0x50: {  	v3 =	vld.idx.msk [tilespmem:v3+s3+$0x0], $0xffff  }
0x51: {  	v4 =	vld.idx.msk [tilespmem:v4+s3+$0x0], $0xffff  }
0x52: {  	v5 =	vld.idx.msk [tilespmem:v5+s3+$0x0], $0xffff  }
0x53: {  	v7 =	vld.idx.msk [tilespmem:v7+s3+$0x0], $0xffff  }
0x54: {  	v9 =	vld.idx.msk [tilespmem:v9+s3+$0x0], $0xffff  }
0x55: {  	v6 =	vld.idx.msk [tilespmem:v6+s3+$0x0], $0xffff  }
0x56: {  	v8 =	vld.idx.msk [tilespmem:v8+s3+$0x0], $0xffff  }
0x57: {  	v10 =	vld.idx.msk [tilespmem:v10+s3+$0x0], $0xffff  }
0x58: {  	v11 =	vld.idx.msk [tilespmem:v11+s3+$0x0], $0xffff  }
0x59: {  	v12 =	vld.idx.msk [tilespmem:v12+s3+$0x0], $0xffff  }
0x5a: {  	v13 =	vld.idx.msk [tilespmem:v13+s3+$0x0], $0xffff  }
0x5b: {  	v15 =	vld.idx.msk [tilespmem:v15+s3+$0x0], $0xffff;
	[tilespmem:s24+$0xC790] =	vst v14  }
0x5c: {  	[tilespmem:s24+$0xC7A0] =	vst v0  }
0x5d: {  	[tilespmem:s24+$0xC7B0] =	vst v1  }
0x5e: {  	[tilespmem:s24+$0xC7C0] =	vst v2  }
0x5f: {  	[tilespmem:s24+$0xC7D0] =	vst v3  }
0x60: {  	[tilespmem:s24+$0xC7E0] =	vst v4  }
0x61: {  	[tilespmem:s24+$0xC7F0] =	vst v5  }
0x62: {  	[tilespmem:s24+$0xC800] =	vst v7  }
0x63: {  	[tilespmem:s24+$0xC810] =	vst v9  }
0x64: {  	[tilespmem:s24+$0xC820] =	vst v6  }
0x65: {  	[tilespmem:s24+$0xC830] =	vst v8  }
0x66: {  	[tilespmem:s24+$0xC840] =	vst v10  }
0x67: {  	[tilespmem:s24+$0xC850] =	vst v11  }
0x68: {  	[tilespmem:s24+$0xC860] =	vst v12  }
0x69: {  	[tilespmem:s24+$0xC870] =	vst v13  }
0x6a: {  	s31 =	sadd.s32 s23, s7;
	[tilespmem:s24+$0xC880] =	vst v15  }
0x6b: {  	[hbm4b:s31+s12] =	stream.strided.scatter [tilespmem:s17], [sflag:$0x3], $0x6400, s13, s12, $0x38;
	[tilespmem:$0x19080] =	vst v63  }
0x6c: {  	s25 =	simm.s32 @p0 $0x20000;
	s26 =	simm.s32 @p0 $0x80;
	s24 =	simm.s32 @p0 $0x400  }
0x6d: {  	[tilespmem:s26], [sflag:$0x1] =	stream.strided.gather @p0 [hbm4b:s8+s24], $0x6400, s25, s24, $0x38;
	[tilespmem:$0x19080] =	vst v63  }
0x6e: {  	_ =	swait.ge [sflag:s18], $0x6400  }
0x6f: {  	[sflag:s18] =	ssyncset.done $0x0  }
0x70: {  	s24 =	simm.s32 @p1 $0x4;
	[sflag:s18] =	ssyncadd.s32 $0xFFFF9C00  }
0x71: {  	_ =	swait.ge @p1 [sflag:s24], $0x6400  }
0x72: {  	[sflag:s24] =	ssyncset.done @p1 $0x0  }
0x73: {  	[sflag:s24] =	ssyncadd.s32 @p1 $0xFFFF9C00;
	s24 =	simm.s32 $0x0  }
0x74: {  	v14 =	vld [tilespmem:s24+$0x6480]  }
0x75: {  	v0 =	vld [tilespmem:s24+$0x6490]  }
0x76: {  	v1 =	vld [tilespmem:s24+$0x64A0]  }
0x77: {  	v2 =	vld [tilespmem:s24+$0x64B0]  }
0x78: {  	v3 =	vld [tilespmem:s24+$0x64C0]  }
0x79: {  	v4 =	vld [tilespmem:s24+$0x64D0]  }
0x7a: {  	v5 =	vld [tilespmem:s24+$0x64E0]  }
0x7b: {  	v7 =	vld [tilespmem:s24+$0x64F0]  }
0x7c: {  	v9 =	vld [tilespmem:s24+$0x6500]  }
0x7d: {  	v6 =	vld [tilespmem:s24+$0x6510]  }
0x7e: {  	v8 =	vld [tilespmem:s24+$0x6520]  }
0x7f: {  	v10 =	vld [tilespmem:s24+$0x6530]  }
0x80: {  	v11 =	vld [tilespmem:s24+$0x6540]  }
0x81: {  	v12 =	vld [tilespmem:s24+$0x6550]  }
0x82: {  	v13 =	vld [tilespmem:s24+$0x6560]  }
0x83: {  	v15 =	vld [tilespmem:s24+$0x6570]  }
0x84: {  	s23 =	sor.u32 $0x80, s23;
	s25 =	simm.s32 $0x400;
	v14 =	vld.idx.msk [tilespmem:v14+s3+$0x0], $0xffff  }
.LBB2_5:
0x85: {  	p1 =	sne.s32 s25, $0x18C00;
	v16 =	vld.idx.msk [tilespmem:v0+s3+$0x0], $0xffff  }
0x86: {  	v17 =	vld.idx.msk [tilespmem:v1+s3+$0x0], $0xffff  }
0x87: {  	v18 =	vld.idx.msk [tilespmem:v2+s3+$0x0], $0xffff  }
0x88: {  	v19 =	vld.idx.msk [tilespmem:v3+s3+$0x0], $0xffff  }
0x89: {  	v20 =	vld.idx.msk [tilespmem:v4+s3+$0x0], $0xffff  }
0x8a: {  	v21 =	vld.idx.msk [tilespmem:v5+s3+$0x0], $0xffff  }
0x8b: {  	v22 =	vld.idx.msk [tilespmem:v7+s3+$0x0], $0xffff  }
0x8c: {  	v23 =	vld.idx.msk [tilespmem:v9+s3+$0x0], $0xffff  }
0x8d: {  	v0 =	vld.idx.msk [tilespmem:v15+s3+$0x0], $0xffff  }
0x8e: {  	v15 =	vld.idx.msk [tilespmem:v6+s3+$0x0], $0xffff  }
0x8f: {  	v24 =	vld.idx.msk [tilespmem:v8+s3+$0x0], $0xffff  }
0x90: {  	v25 =	vld.idx.msk [tilespmem:v10+s3+$0x0], $0xffff  }
0x91: {  	v26 =	vld.idx.msk [tilespmem:v11+s3+$0x0], $0xffff  }
0x92: {  	v27 =	vld.idx.msk [tilespmem:v12+s3+$0x0], $0xffff  }
0x93: {  	s26 =	sshra.s32 s25, $0x2;
	v28 =	vld.idx.msk [tilespmem:v13+s3+$0x0], $0xffff;
	[tilespmem:s24+$0x12D70] =	vst v0  }
0x94: {  	v29 =	vld [tilespmem:s26+$0x6480];
	[tilespmem:s24+$0x12C80] =	vst v14  }
0x95: {  	v0 =	vld [tilespmem:s26+$0x6490];
	[tilespmem:s24+$0x12C90] =	vst v16  }
0x96: {  	v1 =	vld [tilespmem:s26+$0x64A0];
	[tilespmem:s24+$0x12CA0] =	vst v17  }
0x97: {  	v2 =	vld [tilespmem:s26+$0x64B0];
	[tilespmem:s24+$0x12CB0] =	vst v18  }
0x98: {  	v3 =	vld [tilespmem:s26+$0x64C0];
	[tilespmem:s24+$0x12CC0] =	vst v19  }
0x99: {  	v4 =	vld [tilespmem:s26+$0x64D0];
	[tilespmem:s24+$0x12CD0] =	vst v20  }
0x9a: {  	v5 =	vld [tilespmem:s26+$0x64E0];
	[tilespmem:s24+$0x12CE0] =	vst v21  }
0x9b: {  	v7 =	vld [tilespmem:s26+$0x64F0];
	[tilespmem:s24+$0x12CF0] =	vst v22  }
0x9c: {  	v9 =	vld [tilespmem:s26+$0x6500];
	[tilespmem:s24+$0x12D00] =	vst v23  }
0x9d: {  	v6 =	vld [tilespmem:s26+$0x6510];
	[tilespmem:s24+$0x12D10] =	vst v15  }
0x9e: {  	v8 =	vld [tilespmem:s26+$0x6520];
	[tilespmem:s24+$0x12D20] =	vst v24  }
0x9f: {  	v10 =	vld [tilespmem:s26+$0x6530];
	[tilespmem:s24+$0x12D30] =	vst v25  }
.Ltmp1:
0xa0: {  	v11 =	vld [tilespmem:s26+$0x6540];
	[tilespmem:s24+$0x12D40] =	vst v26;
	(pc) =	sbr.rel @p1 .LBB2_5-.Ltmp1, $4  }
0xa1: {  	v12 =	vld [tilespmem:s26+$0x6550];
	[tilespmem:s24+$0x12D50] =	vst v27  }
0xa2: {  	v13 =	vld [tilespmem:s26+$0x6560];
	[tilespmem:s24+$0x12D60] =	vst v28;
	s24 =	smov.u32 s26  }
0xa3: {  	v15 =	vld [tilespmem:s24+$0x6570]  }
0xa4: {  	s25 =	sadd.s32 $0x400, s25;
	v14 =	vld.idx.msk [tilespmem:v29+s3+$0x0], $0xffff  }
0xa5: {  	_ =	sdelay $0x3  }
0xa6: {  	v0 =	vld.idx.msk [tilespmem:v0+s3+$0x0], $0xffff  }
0xa7: {  	v1 =	vld.idx.msk [tilespmem:v1+s3+$0x0], $0xffff  }
0xa8: {  	v2 =	vld.idx.msk [tilespmem:v2+s3+$0x0], $0xffff  }
0xa9: {  	v3 =	vld.idx.msk [tilespmem:v3+s3+$0x0], $0xffff  }
0xaa: {  	v4 =	vld.idx.msk [tilespmem:v4+s3+$0x0], $0xffff  }
0xab: {  	v5 =	vld.idx.msk [tilespmem:v5+s3+$0x0], $0xffff  }
0xac: {  	v7 =	vld.idx.msk [tilespmem:v7+s3+$0x0], $0xffff  }
0xad: {  	v9 =	vld.idx.msk [tilespmem:v9+s3+$0x0], $0xffff  }
0xae: {  	v6 =	vld.idx.msk [tilespmem:v6+s3+$0x0], $0xffff  }
0xaf: {  	v8 =	vld.idx.msk [tilespmem:v8+s3+$0x0], $0xffff  }
0xb0: {  	v10 =	vld.idx.msk [tilespmem:v10+s3+$0x0], $0xffff  }
0xb1: {  	v11 =	vld.idx.msk [tilespmem:v11+s3+$0x0], $0xffff  }
0xb2: {  	v12 =	vld.idx.msk [tilespmem:v12+s3+$0x0], $0xffff  }
0xb3: {  	v13 =	vld.idx.msk [tilespmem:v13+s3+$0x0], $0xffff  }
0xb4: {  	v15 =	vld.idx.msk [tilespmem:v15+s3+$0x0], $0xffff;
	[tilespmem:s24+$0x12C80] =	vst v14  }
0xb5: {  	[tilespmem:s24+$0x12C90] =	vst v0  }
0xb6: {  	[tilespmem:s24+$0x12CA0] =	vst v1  }
0xb7: {  	[tilespmem:s24+$0x12CB0] =	vst v2  }
0xb8: {  	[tilespmem:s24+$0x12CC0] =	vst v3  }
0xb9: {  	[tilespmem:s24+$0x12CD0] =	vst v4  }
0xba: {  	[tilespmem:s24+$0x12CE0] =	vst v5  }
0xbb: {  	[tilespmem:s24+$0x12CF0] =	vst v7  }
0xbc: {  	[tilespmem:s24+$0x12D00] =	vst v9  }
0xbd: {  	[tilespmem:s24+$0x12D10] =	vst v6  }
0xbe: {  	[tilespmem:s24+$0x12D20] =	vst v8  }
0xbf: {  	[tilespmem:s24+$0x12D30] =	vst v10  }
0xc0: {  	[tilespmem:s24+$0x12D40] =	vst v11  }
.Ltmp2:
0xc1: {  	[tilespmem:s24+$0x12D50] =	vst v12;
	(pc) =	sbr.rel @p0 .LBB2_2-.Ltmp2, $4  }
0xc2: {  	[tilespmem:s24+$0x12D60] =	vst v13  }
0xc3: {  	s23 =	sadd.s32 s23, s7;
	p2 =	por $0x0, $0x0;
	[tilespmem:s24+$0x12D70] =	vst v15  }
0xc4: {  	[hbm4b:s23+s12] =	stream.strided.scatter [tilespmem:s19], [sflag:$0x4], $0x6400, s13, s12, $0x38;
	[tilespmem:$0x19080] =	vst v63  }
0xc5: {  	p1 =	por $0x1, $0x1;
	s24 =	smov.u32 s9;
	s23 =	simm.s32 $0x100  }
0xc6: {  	s22 =	sadd.s32 $0x1, s22  }
0xc7: {  	_ =	swait.ge [sflag:s20], $0x6400;
	p0 =	sne.s32 s22, s10  }
.Ltmp3:
0xc8: {  	[sflag:s20] =	ssyncset.done $0x0;
	(pc) =	sbr.rel @p0 .LBB2_1-.Ltmp3, $4  }
0xc9: {  	[sflag:s20] =	ssyncadd.s32 $0xFFFF9C00  }
0xca: {  	_ =	swait.ge [sflag:s21], $0x6400  }
0xcb: {  	[sflag:s21] =	ssyncset.done $0x0  }
0xcc: {  	[sflag:s21] =	ssyncadd.s32 $0xFFFF9C00  }
0xcd: {  	_ =	sfence.sel $0x180000  }
0xce: {  	[bflag:$0x0] =	sbarrier.arrive $0xFFFF  }
0xcf: {  	p0 =	sne.s32 s2, $0x0;
	_ =	strace $0x90000047  }
0xd0: {  	s0 =	sadd.s32 @!p0 $0x100000, s0;
	[bflag:$0x2] =	sbarrier.arrive $0xFFFF  }
0xd1: {  	[sflag:s0] =	ssyncadd.tile.s32 @!p0 $0x1;
	_ =	shalt  }
.Lfunc_end2:
_tile_overlayer_lowered:
.L_overlay_start_2:
0xd2: {  	(tag) =	ssettag $0x2  }
0xd3: {  	s0 =	rddreg [dreg:$0x0];
	s2 =	stileid.u32  }
0xd4: {  	s1 =	rddreg [dreg:$0x1];
	p0 =	sne.s32 s2, $0x0  }
0xd5: {  	s3 =	rddreg [dreg:$0x2];
	[bflag:$0x3] =	sbarrier.arrive $0xFFFF;
	s2 =	simm.s32 @!p0 $0x1C05  }
0xd6: {  	[timem:s3], [sflag:s2] =	dma.local @!p0 [hbm:s0], s1  }
0xd7: {  	s0 =	simm.s32 @!p0 $0x5  }
0xd8: {  	_ =	swait.ge @!p0 [sflag:s0], s1  }
0xd9: {  	s1 =	ssub.s32 @!p0 $0x0, s1;
	[sflag:s0] =	ssyncset.done @!p0 $0x0  }
0xda: {  	[sflag:s0] =	ssyncadd.s32 @!p0 s1  }
0xdb: {  	[bflag:$0x3] =	sbarrier.arrive $0xFFFF  }
0xdc: {  	_ =	shalt  }

</sc_bundles>
